<compile_context>
chip_gen: v7x
topology: tpu7x:2x2x1
jax: 0.10.2.dev20260603
libtpu: 0.0.44.dev20260713+nightly
codegen_flags: <defaults>
</compile_context>

<pallas_src>
import functools

import jax
import jax.numpy as jnp
from jax import lax
from jax.experimental import pallas as pl
from jax.experimental.pallas import tpu as pltpu
from jax.experimental.pallas import tpu_sc as plsc

BATCH = 16384
HIST = 200
VPAD = 128
NUM_WORKERS = 32
ROWS_PER_W = BATCH // NUM_WORKERS
WROWS = BATCH // 2
WROWS_PER_W = ROWS_PER_W // 2


NBUF = 4
WORDS_PER_W = WROWS_PER_W * 128
CHUNK = 128


def _hist_body(x_hbm, counts_hbm, x_v, wide_v, *bufs):
    nc = 2
    wid = lax.axis_index("s") * nc + lax.axis_index("c")

    pltpu.sync_copy(x_hbm.at[pl.ds(wid * WORDS_PER_W, WORDS_PER_W)], x_v)

    zeros = jnp.zeros((16,), jnp.float32)
    izeros = jnp.zeros((16,), jnp.int32)
    iota16 = lax.iota(jnp.int32, 16)
    iones = jnp.ones((16,), jnp.int32)

    @plsc.parallel_loop(0, ROWS_PER_W)
    def _zero(i):
        for b in bufs:
            b[i, pl.ds(0, 16)] = izeros
            b[i, pl.ds(8, 16)] = izeros

    @plsc.parallel_loop(0, CHUNK)
    def _zero_wide(i):
        for c in (24, 40, 56, 72, 88, 104, 112):
            wide_v[i, pl.ds(c, 16)] = zeros

    @plsc.parallel_loop(0, WROWS_PER_W // 16)
    def _groups(jg):
        r_lo = iota16 + jg * 16
        wrows128 = r_lo * 128
        r_hi = r_lo + WROWS_PER_W

        @plsc.parallel_loop(0, 72, unroll=4)
        def _hist_l(l):
            w = plsc.load_gather(x_v, [wrows128 + l])
            ids0 = w & 0xFF
            ids1 = lax.shift_right_logical(w, 8) & 0xFF
            ids2 = lax.shift_right_logical(w, 16) & 0xFF
            ids3 = lax.shift_right_logical(w, 24)
            plsc.addupdate_scatter(bufs[0], [r_lo, ids0], iones)
            plsc.addupdate_scatter(bufs[1], [r_lo, ids1], iones)
            plsc.addupdate_scatter(bufs[2], [r_hi, ids2], iones)
            plsc.addupdate_scatter(bufs[3], [r_hi, ids3], iones)

        @plsc.parallel_loop(72, 128, unroll=4)
        def _hist_l2(l):
            w = plsc.load_gather(x_v, [wrows128 + l])
            ids0 = w & 0xFF
            ids2 = lax.shift_right_logical(w, 16) & 0xFF
            plsc.addupdate_scatter(bufs[0], [r_lo, ids0], iones)
            plsc.addupdate_scatter(bufs[2], [r_hi, ids2], iones)

    r_a = (wid // 4) * 2048 + (wid % 4) * WROWS_PER_W
    for c in range(ROWS_PER_W // CHUNK):
        base_local = c * CHUNK
        if c < 2:
            base_glob = r_a + base_local
        else:
            base_glob = r_a + 1024 + (base_local - 2 * CHUNK)

        @plsc.parallel_loop(0, CHUNK)
        def _merge(i):
            lo = bufs[0][base_local + i, pl.ds(0, 16)]
            hi = bufs[0][base_local + i, pl.ds(8, 16)]
            for b in bufs[1:]:
                lo = lo + b[base_local + i, pl.ds(0, 16)]
                hi = hi + b[base_local + i, pl.ds(8, 16)]
            wide_v[i, pl.ds(0, 16)] = lo.astype(jnp.float32)
            wide_v[i, pl.ds(8, 16)] = hi.astype(jnp.float32)

        pltpu.sync_copy(wide_v, counts_hbm.at[pl.ds(base_glob, CHUNK), :])


@functools.cache
def _make_hist():
    return pl.kernel(
        _hist_body,
        mesh=plsc.VectorSubcoreMesh(core_axis_name="c", subcore_axis_name="s"),
        out_type=jax.ShapeDtypeStruct((BATCH, VPAD), jnp.float32),
        scratch_types=[
            pltpu.VMEM((WORDS_PER_W,), jnp.int32),
            pltpu.VMEM((CHUNK, VPAD), jnp.float32),
        ]
        + [pltpu.VMEM((ROWS_PER_W, 24), jnp.int32) for _ in range(NBUF)],
        compiler_params=pltpu.CompilerParams(
            use_tc_tiling_on_sc=False,
            needs_layout_passes=False,
        ),
    )


def _pack_body(x_ref, o_ref):
    blk = x_ref.shape[0]
    half = blk // 2
    xp = jnp.pad(x_ref[:, :], ((0, 0), (0, 256 - HIST)))
    x00 = lax.slice(xp, (0, 0), (half, 128))
    x01 = lax.slice(xp, (0, 128), (half, 256))
    x10 = lax.slice(xp, (half, 0), (blk, 128))
    x11 = lax.slice(xp, (half, 128), (blk, 256))
    w = x00 | (x01 << 8) | (x10 << 16) | (x11 << 24)
    o_ref[...] = w.reshape(-1)


def _pack(x):
    blk = 2048
    return pl.pallas_call(
        _pack_body,
        grid=(BATCH // blk,),
        in_specs=[pl.BlockSpec((blk, HIST), lambda i: (i, 0))],
        out_specs=pl.BlockSpec((blk * 64,), lambda i: (i,)),
        out_shape=jax.ShapeDtypeStruct((BATCH * 64,), jnp.int32),
    )(x)


def _matmul_body(c_ref, t_ref, o_ref):
    o_ref[:, :] = jnp.tanh(
        jnp.dot(
            c_ref[:, :],
            t_ref[:, :],
            preferred_element_type=jnp.float32,
            precision=lax.Precision.HIGHEST,
        )
    )


def _matmul_tanh(counts, table128):
    blk = 8192
    return pl.pallas_call(
        _matmul_body,
        grid=(BATCH // blk,),
        in_specs=[
            pl.BlockSpec((blk, VPAD), lambda i: (i, 0)),
            pl.BlockSpec((VPAD, 128), lambda i: (0, 0)),
        ],
        out_specs=pl.BlockSpec((blk, 128), lambda i: (i, 0)),
        out_shape=jax.ShapeDtypeStruct((BATCH, 128), jnp.float32),
    )(counts, table128)


def kernel(x, table):
    x_pk = _pack(x)
    counts = _make_hist()(x_pk)
    table128 = jnp.concatenate([table, jnp.zeros((105, 128), table.dtype)], axis=0)
    return _matmul_tanh(counts, table128)

# --- scband reference (transcript-rebuilt; emitter-appended) ---
"""Pipeline reference for scband-data-encoder-56023553409612 (READ-ONLY COPY).

The authoritative reference and input builder live on the scoring server;
editing this copy changes nothing except your own understanding.
"""

import jax, jax.numpy as jnp
import numpy as np

VOCAB = 23
EMB_DIM = 128
BATCH = 16384
HIST = 200

def setup_inputs(seed: int = 0) -> dict:
    key = jax.random.key(seed)
    k1, k2 = jax.random.split(key)
    x = jax.random.randint(k1, (BATCH, HIST), 0, VOCAB, dtype=jnp.int64 if jax.config.read('jax_enable_x64') else jnp.int32)
    table = jax.random.normal(k2, (VOCAB, EMB_DIM), dtype=jnp.float32)
    # padding_idx=0: row 0 is zeros
    table = table.at[0].set(0.0)
    return {"x": x, "table": table}

def reference(x, table):
    # torch.nn.Embedding lookup (gather)
    emb = jnp.take(table, x, axis=0)            # [B, L, D]
    summed = jnp.sum(emb, axis=1)               # [B, D]
    out = jnp.tanh(summed)
    return out

if __name__ == "__main__":
    import jax
    _d = setup_inputs()
    print(jax.jit(kernel)(*tuple(_d.values())))

</pallas_src>

<mosaic_0001>
#map = affine_map<(d0, d1) -> (0)>
#map1 = affine_map<(d0, d1) -> (0, 0)>
module attributes {stable_mosaic.version = 14 : i64} {
  func.func @_hist_body(%arg0: i32, %arg1: i32, %arg2: memref<1048576xi32, #tpu.memory_space<hbm>>, %arg3: memref<16384x128xf32, #tpu.memory_space<hbm>>, %arg4: memref<32768xi32, #tpu.memory_space<vmem>>, %arg5: memref<128x128xf32, #tpu.memory_space<vmem>>, %arg6: memref<512x24xi32, #tpu.memory_space<vmem>>, %arg7: memref<512x24xi32, #tpu.memory_space<vmem>>, %arg8: memref<512x24xi32, #tpu.memory_space<vmem>>, %arg9: memref<512x24xi32, #tpu.memory_space<vmem>>) attributes {dimension_semantics = [#tpu.dimension_semantics<core_parallel>, #tpu.dimension_semantics<subcore_parallel>], iteration_bounds = array<i64: 2, 16>, scalar_prefetch = 0 : i64, scratch_operands = 6 : i64, tpu.core_type = #tpu.core_type<sc_vector_subcore>, window_params = [{transform_indices = #map}, {transform_indices = #map1}]} {
    %mul3A = arith.constant 2 : i32
    %mul3A_0 = arith.muli %arg1, %mul3A : i32
    %add3A = arith.addi %mul3A_0, %arg0 : i32
    %mul3A_1 = arith.constant 32768 : i32
    %mul3A_2 = arith.muli %add3A, %mul3A_1 : i32
    "tpu.region"() ({
      %run_scoped3A = tpu.sem_alloc : memref<!tpu.dma_semaphore, #tpu.memory_space<semaphore_mem>>
      %dma_start3A = tpu.memref_slice %arg2[%mul3A_2] : memref<1048576xi32, #tpu.memory_space<hbm>> -> memref<32768xi32, #tpu.memory_space<hbm>>
      %dma_start3A_75 = tpu.memref_slice %arg2[%mul3A_2] : memref<1048576xi32, #tpu.memory_space<hbm>> -> memref<32768xi32, #tpu.memory_space<hbm>>
      tpu.enqueue_dma source(%dma_start3A_75 : memref<32768xi32, #tpu.memory_space<hbm>>) target(%arg4 : memref<32768xi32, #tpu.memory_space<vmem>>) target_semaphore(%run_scoped3A : memref<!tpu.dma_semaphore, #tpu.memory_space<semaphore_mem>>)
      %dma_wait3A = tpu.memref_slice %arg2[%mul3A_2] : memref<1048576xi32, #tpu.memory_space<hbm>> -> memref<32768xi32, #tpu.memory_space<hbm>>
      %dma_wait3A_76 = tpu.memref_slice %arg2[%mul3A_2] : memref<1048576xi32, #tpu.memory_space<hbm>> -> memref<32768xi32, #tpu.memory_space<hbm>>
      tpu.wait_dma2 semaphore(%run_scoped3A : memref<!tpu.dma_semaphore, #tpu.memory_space<semaphore_mem>>) src(%dma_wait3A_76 : memref<32768xi32, #tpu.memory_space<hbm>>) dst(%arg4 : memref<32768xi32, #tpu.memory_space<vmem>>)
      tpu.yield
    }) : () -> ()
    %broadcast_in_dim3A = arith.constant 0.000000e+00 : f32
    %broadcast_in_dim3A_3 = vector.broadcast %broadcast_in_dim3A : f32 to vector<16xf32>
    %broadcast_in_dim3A_4 = arith.constant 0 : i32
    %broadcast_in_dim3A_5 = vector.broadcast %broadcast_in_dim3A_4 : i32 to vector<16xi32>
    %iota3A = tpu.iota {dimensions = array<i32: 0>} : vector<16xi32>
    %broadcast_in_dim3A_6 = arith.constant 1 : i32
    %broadcast_in_dim3A_7 = vector.broadcast %broadcast_in_dim3A_6 : i32 to vector<16xi32>
    %parallel_loop3A = arith.constant 0 : i32
    %parallel_loop3A_8 = arith.constant 512 : i32
    %parallel_loop3A_9 = arith.constant 1 : i32
    scf.for %parallel_loop3A_75 = %parallel_loop3A to %parallel_loop3A_8 step %parallel_loop3A_9  : i32 {
      %parallel_loop3A_76 = arith.index_cast %parallel_loop3A_75 : i32 to index
      %parallel_loop3A_77 = arith.constant 0 : index
      %parallel_loop3A_78 = tpu.vector_load %arg6[%parallel_loop3A_76, %parallel_loop3A_77] {strides = array<i32>} : memref<512x24xi32, #tpu.memory_space<vmem>>, vector<16xi32>,
      tpu.vector_store %arg6[%parallel_loop3A_76, %parallel_loop3A_77], %broadcast_in_dim3A_5 {strides = array<i32>} : memref<512x24xi32, #tpu.memory_space<vmem>>, vector<16xi32>,
      %parallel_loop3A_79 = arith.index_cast %parallel_loop3A_75 : i32 to index
      %parallel_loop3A_80 = arith.constant 8 : index
      %parallel_loop3A_81 = tpu.vector_load %arg6[%parallel_loop3A_79, %parallel_loop3A_80] {strides = array<i32>} : memref<512x24xi32, #tpu.memory_space<vmem>>, vector<16xi32>,
      tpu.vector_store %arg6[%parallel_loop3A_79, %parallel_loop3A_80], %broadcast_in_dim3A_5 {strides = array<i32>} : memref<512x24xi32, #tpu.memory_space<vmem>>, vector<16xi32>,
      %parallel_loop3A_82 = arith.index_cast %parallel_loop3A_75 : i32 to index
      %parallel_loop3A_83 = arith.constant 0 : index
      %parallel_loop3A_84 = tpu.vector_load %arg7[%parallel_loop3A_82, %parallel_loop3A_83] {strides = array<i32>} : memref<512x24xi32, #tpu.memory_space<vmem>>, vector<16xi32>,
      tpu.vector_store %arg7[%parallel_loop3A_82, %parallel_loop3A_83], %broadcast_in_dim3A_5 {strides = array<i32>} : memref<512x24xi32, #tpu.memory_space<vmem>>, vector<16xi32>,
      %parallel_loop3A_85 = arith.index_cast %parallel_loop3A_75 : i32 to index
      %parallel_loop3A_86 = arith.constant 8 : index
      %parallel_loop3A_87 = tpu.vector_load %arg7[%parallel_loop3A_85, %parallel_loop3A_86] {strides = array<i32>} : memref<512x24xi32, #tpu.memory_space<vmem>>, vector<16xi32>,
      tpu.vector_store %arg7[%parallel_loop3A_85, %parallel_loop3A_86], %broadcast_in_dim3A_5 {strides = array<i32>} : memref<512x24xi32, #tpu.memory_space<vmem>>, vector<16xi32>,
      %parallel_loop3A_88 = arith.index_cast %parallel_loop3A_75 : i32 to index
      %parallel_loop3A_89 = arith.constant 0 : index
      %parallel_loop3A_90 = tpu.vector_load %arg8[%parallel_loop3A_88, %parallel_loop3A_89] {strides = array<i32>} : memref<512x24xi32, #tpu.memory_space<vmem>>, vector<16xi32>,
      tpu.vector_store %arg8[%parallel_loop3A_88, %parallel_loop3A_89], %broadcast_in_dim3A_5 {strides = array<i32>} : memref<512x24xi32, #tpu.memory_space<vmem>>, vector<16xi32>,
      %parallel_loop3A_91 = arith.index_cast %parallel_loop3A_75 : i32 to index
      %parallel_loop3A_92 = arith.constant 8 : index
      %parallel_loop3A_93 = tpu.vector_load %arg8[%parallel_loop3A_91, %parallel_loop3A_92] {strides = array<i32>} : memref<512x24xi32, #tpu.memory_space<vmem>>, vector<16xi32>,
      tpu.vector_store %arg8[%parallel_loop3A_91, %parallel_loop3A_92], %broadcast_in_dim3A_5 {strides = array<i32>} : memref<512x24xi32, #tpu.memory_space<vmem>>, vector<16xi32>,
      %parallel_loop3A_94 = arith.index_cast %parallel_loop3A_75 : i32 to index
      %parallel_loop3A_95 = arith.constant 0 : index
      %parallel_loop3A_96 = tpu.vector_load %arg9[%parallel_loop3A_94, %parallel_loop3A_95] {strides = array<i32>} : memref<512x24xi32, #tpu.memory_space<vmem>>, vector<16xi32>,
      tpu.vector_store %arg9[%parallel_loop3A_94, %parallel_loop3A_95], %broadcast_in_dim3A_5 {strides = array<i32>} : memref<512x24xi32, #tpu.memory_space<vmem>>, vector<16xi32>,
      %parallel_loop3A_97 = arith.index_cast %parallel_loop3A_75 : i32 to index
      %parallel_loop3A_98 = arith.constant 8 : index
      %parallel_loop3A_99 = tpu.vector_load %arg9[%parallel_loop3A_97, %parallel_loop3A_98] {strides = array<i32>} : memref<512x24xi32, #tpu.memory_space<vmem>>, vector<16xi32>,
      tpu.vector_store %arg9[%parallel_loop3A_97, %parallel_loop3A_98], %broadcast_in_dim3A_5 {strides = array<i32>} : memref<512x24xi32, #tpu.memory_space<vmem>>, vector<16xi32>,
    } {sc.loop_unroll_factor = 1 : i64, sc.parallel_access}
    %parallel_loop3A_10 = arith.constant 0 : i32
    %parallel_loop3A_11 = arith.constant 128 : i32
    %parallel_loop3A_12 = arith.constant 1 : i32
    scf.for %parallel_loop3A_75 = %parallel_loop3A_10 to %parallel_loop3A_11 step %parallel_loop3A_12  : i32 {
      %parallel_loop3A_76 = arith.index_cast %parallel_loop3A_75 : i32 to index
      %parallel_loop3A_77 = arith.constant 24 : index
      %parallel_loop3A_78 = tpu.vector_load %arg5[%parallel_loop3A_76, %parallel_loop3A_77] {strides = array<i32>} : memref<128x128xf32, #tpu.memory_space<vmem>>, vector<16xf32>,
      tpu.vector_store %arg5[%parallel_loop3A_76, %parallel_loop3A_77], %broadcast_in_dim3A_3 {strides = array<i32>} : memref<128x128xf32, #tpu.memory_space<vmem>>, vector<16xf32>,
      %parallel_loop3A_79 = arith.index_cast %parallel_loop3A_75 : i32 to index
      %parallel_loop3A_80 = arith.constant 40 : index
      %parallel_loop3A_81 = tpu.vector_load %arg5[%parallel_loop3A_79, %parallel_loop3A_80] {strides = array<i32>} : memref<128x128xf32, #tpu.memory_space<vmem>>, vector<16xf32>,
      tpu.vector_store %arg5[%parallel_loop3A_79, %parallel_loop3A_80], %broadcast_in_dim3A_3 {strides = array<i32>} : memref<128x128xf32, #tpu.memory_space<vmem>>, vector<16xf32>,
      %parallel_loop3A_82 = arith.index_cast %parallel_loop3A_75 : i32 to index
      %parallel_loop3A_83 = arith.constant 56 : index
      %parallel_loop3A_84 = tpu.vector_load %arg5[%parallel_loop3A_82, %parallel_loop3A_83] {strides = array<i32>} : memref<128x128xf32, #tpu.memory_space<vmem>>, vector<16xf32>,
      tpu.vector_store %arg5[%parallel_loop3A_82, %parallel_loop3A_83], %broadcast_in_dim3A_3 {strides = array<i32>} : memref<128x128xf32, #tpu.memory_space<vmem>>, vector<16xf32>,
      %parallel_loop3A_85 = arith.index_cast %parallel_loop3A_75 : i32 to index
      %parallel_loop3A_86 = arith.constant 72 : index
      %parallel_loop3A_87 = tpu.vector_load %arg5[%parallel_loop3A_85, %parallel_loop3A_86] {strides = array<i32>} : memref<128x128xf32, #tpu.memory_space<vmem>>, vector<16xf32>,
      tpu.vector_store %arg5[%parallel_loop3A_85, %parallel_loop3A_86], %broadcast_in_dim3A_3 {strides = array<i32>} : memref<128x128xf32, #tpu.memory_space<vmem>>, vector<16xf32>,
      %parallel_loop3A_88 = arith.index_cast %parallel_loop3A_75 : i32 to index
      %parallel_loop3A_89 = arith.constant 88 : index
      %parallel_loop3A_90 = tpu.vector_load %arg5[%parallel_loop3A_88, %parallel_loop3A_89] {strides = array<i32>} : memref<128x128xf32, #tpu.memory_space<vmem>>, vector<16xf32>,
      tpu.vector_store %arg5[%parallel_loop3A_88, %parallel_loop3A_89], %broadcast_in_dim3A_3 {strides = array<i32>} : memref<128x128xf32, #tpu.memory_space<vmem>>, vector<16xf32>,
      %parallel_loop3A_91 = arith.index_cast %parallel_loop3A_75 : i32 to index
      %parallel_loop3A_92 = arith.constant 104 : index
      %parallel_loop3A_93 = tpu.vector_load %arg5[%parallel_loop3A_91, %parallel_loop3A_92] {strides = array<i32>} : memref<128x128xf32, #tpu.memory_space<vmem>>, vector<16xf32>,
      tpu.vector_store %arg5[%parallel_loop3A_91, %parallel_loop3A_92], %broadcast_in_dim3A_3 {strides = array<i32>} : memref<128x128xf32, #tpu.memory_space<vmem>>, vector<16xf32>,
      %parallel_loop3A_94 = arith.index_cast %parallel_loop3A_75 : i32 to index
      %parallel_loop3A_95 = arith.constant 112 : index
      %parallel_loop3A_96 = tpu.vector_load %arg5[%parallel_loop3A_94, %parallel_loop3A_95] {strides = array<i32>} : memref<128x128xf32, #tpu.memory_space<vmem>>, vector<16xf32>,
      tpu.vector_store %arg5[%parallel_loop3A_94, %parallel_loop3A_95], %broadcast_in_dim3A_3 {strides = array<i32>} : memref<128x128xf32, #tpu.memory_space<vmem>>, vector<16xf32>,
    } {sc.loop_unroll_factor = 1 : i64, sc.parallel_access}
    %parallel_loop3A_13 = arith.constant 0 : i32
    %parallel_loop3A_14 = arith.constant 16 : i32
    %parallel_loop3A_15 = arith.constant 1 : i32
    scf.for %parallel_loop3A_75 = %parallel_loop3A_13 to %parallel_loop3A_14 step %parallel_loop3A_15  : i32 {
      %parallel_loop3A_76 = arith.constant 16 : i32
      %parallel_loop3A_77 = arith.muli %parallel_loop3A_75, %parallel_loop3A_76 : i32
      %parallel_loop3A_78 = vector.broadcast %parallel_loop3A_77 : i32 to vector<16xi32>
      %parallel_loop3A_79 = arith.addi %iota3A, %parallel_loop3A_78 : vector<16xi32>
      %parallel_loop3A_80 = arith.constant 128 : i32
      %parallel_loop3A_81 = vector.broadcast %parallel_loop3A_80 : i32 to vector<16xi32>
      %parallel_loop3A_82 = arith.muli %parallel_loop3A_79, %parallel_loop3A_81 : vector<16xi32>
      %parallel_loop3A_83 = arith.constant 256 : i32
      %parallel_loop3A_84 = vector.broadcast %parallel_loop3A_83 : i32 to vector<16xi32>
      %parallel_loop3A_85 = arith.addi %parallel_loop3A_79, %parallel_loop3A_84 : vector<16xi32>
      %parallel_loop3A_86 = arith.constant 0 : i32
      %parallel_loop3A_87 = arith.constant 72 : i32
      %parallel_loop3A_88 = arith.constant 1 : i32
      scf.for %parallel_loop3A_92 = %parallel_loop3A_86 to %parallel_loop3A_87 step %parallel_loop3A_88  : i32 {
        %parallel_loop3A_93 = vector.broadcast %parallel_loop3A_92 : i32 to vector<16xi32>
        %parallel_loop3A_94 = arith.addi %parallel_loop3A_82, %parallel_loop3A_93 : vector<16xi32>
        %parallel_loop3A_95 = tpu.vector_load_idx %arg4[%parallel_loop3A_94] : memref<32768xi32, #tpu.memory_space<vmem>>[vector<16xi32>], vector<16xi32>,
        %parallel_loop3A_96 = arith.constant 255 : i32
        %parallel_loop3A_97 = vector.broadcast %parallel_loop3A_96 : i32 to vector<16xi32>
        %parallel_loop3A_98 = arith.andi %parallel_loop3A_95, %parallel_loop3A_97 : vector<16xi32>
        %parallel_loop3A_99 = arith.constant 8 : i32
        %parallel_loop3A_100 = vector.broadcast %parallel_loop3A_99 : i32 to vector<16xi32>
        %parallel_loop3A_101 = arith.shrui %parallel_loop3A_95, %parallel_loop3A_100 : vector<16xi32>
        %parallel_loop3A_102 = arith.constant 255 : i32
        %parallel_loop3A_103 = vector.broadcast %parallel_loop3A_102 : i32 to vector<16xi32>
        %parallel_loop3A_104 = arith.andi %parallel_loop3A_101, %parallel_loop3A_103 : vector<16xi32>
        %parallel_loop3A_105 = arith.constant 16 : i32
        %parallel_loop3A_106 = vector.broadcast %parallel_loop3A_105 : i32 to vector<16xi32>
        %parallel_loop3A_107 = arith.shrui %parallel_loop3A_95, %parallel_loop3A_106 : vector<16xi32>
        %parallel_loop3A_108 = arith.constant 255 : i32
        %parallel_loop3A_109 = vector.broadcast %parallel_loop3A_108 : i32 to vector<16xi32>
        %parallel_loop3A_110 = arith.andi %parallel_loop3A_107, %parallel_loop3A_109 : vector<16xi32>
        %parallel_loop3A_111 = arith.constant 24 : i32
        %parallel_loop3A_112 = vector.broadcast %parallel_loop3A_111 : i32 to vector<16xi32>
        %parallel_loop3A_113 = arith.shrui %parallel_loop3A_95, %parallel_loop3A_112 : vector<16xi32>
        tpu.vector_store_idx %arg6[%parallel_loop3A_79, %parallel_loop3A_98], %broadcast_in_dim3A_7 {add = true} : memref<512x24xi32, #tpu.memory_space<vmem>>[vector<16xi32>, vector<16xi32>], vector<16xi32>,
        tpu.vector_store_idx %arg7[%parallel_loop3A_79, %parallel_loop3A_104], %broadcast_in_dim3A_7 {add = true} : memref<512x24xi32, #tpu.memory_space<vmem>>[vector<16xi32>, vector<16xi32>], vector<16xi32>,
        tpu.vector_store_idx %arg8[%parallel_loop3A_85, %parallel_loop3A_110], %broadcast_in_dim3A_7 {add = true} : memref<512x24xi32, #tpu.memory_space<vmem>>[vector<16xi32>, vector<16xi32>], vector<16xi32>,
        tpu.vector_store_idx %arg9[%parallel_loop3A_85, %parallel_loop3A_113], %broadcast_in_dim3A_7 {add = true} : memref<512x24xi32, #tpu.memory_space<vmem>>[vector<16xi32>, vector<16xi32>], vector<16xi32>,
      } {sc.loop_unroll_factor = 4 : i64, sc.parallel_access}
      %parallel_loop3A_89 = arith.constant 72 : i32
      %parallel_loop3A_90 = arith.constant 128 : i32
      %parallel_loop3A_91 = arith.constant 1 : i32
      scf.for %parallel_loop3A_92 = %parallel_loop3A_89 to %parallel_loop3A_90 step %parallel_loop3A_91  : i32 {
        %parallel_loop3A_93 = vector.broadcast %parallel_loop3A_92 : i32 to vector<16xi32>
        %parallel_loop3A_94 = arith.addi %parallel_loop3A_82, %parallel_loop3A_93 : vector<16xi32>
        %parallel_loop3A_95 = tpu.vector_load_idx %arg4[%parallel_loop3A_94] : memref<32768xi32, #tpu.memory_space<vmem>>[vector<16xi32>], vector<16xi32>,
        %parallel_loop3A_96 = arith.constant 255 : i32
        %parallel_loop3A_97 = vector.broadcast %parallel_loop3A_96 : i32 to vector<16xi32>
        %parallel_loop3A_98 = arith.andi %parallel_loop3A_95, %parallel_loop3A_97 : vector<16xi32>
        %parallel_loop3A_99 = arith.constant 16 : i32
        %parallel_loop3A_100 = vector.broadcast %parallel_loop3A_99 : i32 to vector<16xi32>
        %parallel_loop3A_101 = arith.shrui %parallel_loop3A_95, %parallel_loop3A_100 : vector<16xi32>
        %parallel_loop3A_102 = arith.constant 255 : i32
        %parallel_loop3A_103 = vector.broadcast %parallel_loop3A_102 : i32 to vector<16xi32>
        %parallel_loop3A_104 = arith.andi %parallel_loop3A_101, %parallel_loop3A_103 : vector<16xi32>
        tpu.vector_store_idx %arg6[%parallel_loop3A_79, %parallel_loop3A_98], %broadcast_in_dim3A_7 {add = true} : memref<512x24xi32, #tpu.memory_space<vmem>>[vector<16xi32>, vector<16xi32>], vector<16xi32>,
        tpu.vector_store_idx %arg8[%parallel_loop3A_85, %parallel_loop3A_104], %broadcast_in_dim3A_7 {add = true} : memref<512x24xi32, #tpu.memory_space<vmem>>[vector<16xi32>, vector<16xi32>], vector<16xi32>,
      } {sc.loop_unroll_factor = 4 : i64, sc.parallel_access}
    } {sc.loop_unroll_factor = 1 : i64, sc.parallel_access}
    %jit3A = arith.constant 4 : i32
    %div3A = arith.divsi %add3A, %jit3A : i32
    %sign3A = arith.constant 0 : i32
    %sign3A_16 = arith.cmpi sgt, %add3A, %sign3A : i32
    %sign3A_17 = arith.extui %sign3A_16 : i1 to i32
    %sign3A_18 = arith.constant 0 : i32
    %sign3A_19 = arith.cmpi slt, %add3A, %sign3A_18 : i32
    %sign3A_20 = arith.extui %sign3A_19 : i1 to i32
    %sign3A_21 = arith.subi %sign3A_17, %sign3A_20 : i32
    %sign3A_22 = arith.constant 0 : i32
    %sign3A_23 = arith.cmpi sgt, %jit3A, %sign3A_22 : i32
    %sign3A_24 = arith.extui %sign3A_23 : i1 to i32
    %sign3A_25 = arith.constant 0 : i32
    %sign3A_26 = arith.cmpi slt, %jit3A, %sign3A_25 : i32
    %sign3A_27 = arith.extui %sign3A_26 : i1 to i32
    %sign3A_28 = arith.subi %sign3A_24, %sign3A_27 : i32
    %ne3A = arith.cmpi ne, %sign3A_21, %sign3A_28 : i32
    %rem3A = arith.remsi %add3A, %jit3A : i32
    %ne3A_29 = arith.constant 0 : i32
    %ne3A_30 = arith.cmpi ne, %rem3A, %ne3A_29 : i32
    %and3A = arith.andi %ne3A, %ne3A_30 : i1
    %sub3A = arith.constant 1 : i32
    %sub3A_31 = arith.subi %div3A, %sub3A : i32
    %select_n3A = arith.select %and3A, %sub3A_31, %div3A : i32
    %mul3A_32 = arith.constant 2048 : i32
    %mul3A_33 = arith.muli %select_n3A, %mul3A_32 : i32
    %jit3A_34 = arith.constant 4 : i32
    %eq3A = arith.constant 0 : i32
    %eq3A_35 = arith.cmpi eq, %jit3A_34, %eq3A : i32
    %jit3A_36 = arith.constant 1 : i32
    %select_n3A_37 = arith.select %eq3A_35, %jit3A_36, %jit3A_34 : i32
    %rem3A_38 = arith.remsi %add3A, %select_n3A_37 : i32
    %ne3A_39 = arith.constant 0 : i32
    %ne3A_40 = arith.cmpi ne, %rem3A_38, %ne3A_39 : i32
    %lt3A = arith.constant 0 : i32
    %lt3A_41 = arith.cmpi slt, %rem3A_38, %lt3A : i32
    %lt3A_42 = arith.constant 0 : i32
    %lt3A_43 = arith.cmpi slt, %select_n3A_37, %lt3A_42 : i32
    %ne3A_44 = arith.xori %lt3A_41, %lt3A_43 : i1
    %and3A_45 = arith.andi %ne3A_44, %ne3A_40 : i1
    %add3A_46 = arith.addi %rem3A_38, %select_n3A_37 : i32
    %select_n3A_47 = arith.select %and3A_45, %add3A_46, %rem3A_38 : i32
    %mul3A_48 = arith.constant 256 : i32
    %mul3A_49 = arith.muli %select_n3A_47, %mul3A_48 : i32
    %add3A_50 = arith.addi %mul3A_33, %mul3A_49 : i32
    %add3A_51 = arith.constant 0 : i32
    %add3A_52 = arith.addi %add3A_50, %add3A_51 : i32
    %parallel_loop3A_53 = arith.constant 0 : i32
    %parallel_loop3A_54 = arith.constant 128 : i32
    %parallel_loop3A_55 = arith.constant 1 : i32
    scf.for %parallel_loop3A_75 = %parallel_loop3A_53 to %parallel_loop3A_54 step %parallel_loop3A_55  : i32 {
      %parallel_loop3A_76 = arith.constant 0 : i32
      %parallel_loop3A_77 = arith.addi %parallel_loop3A_76, %parallel_loop3A_75 : i32
      %parallel_loop3A_78 = arith.index_cast %parallel_loop3A_77 : i32 to index
      %parallel_loop3A_79 = arith.constant 0 : index
      %parallel_loop3A_80 = tpu.vector_load %arg6[%parallel_loop3A_78, %parallel_loop3A_79] {strides = array<i32>} : memref<512x24xi32, #tpu.memory_space<vmem>>, vector<16xi32>,
      %parallel_loop3A_81 = arith.constant 0 : i32
      %parallel_loop3A_82 = arith.addi %parallel_loop3A_81, %parallel_loop3A_75 : i32
      %parallel_loop3A_83 = arith.index_cast %parallel_loop3A_82 : i32 to index
      %parallel_loop3A_84 = arith.constant 8 : index
      %parallel_loop3A_85 = tpu.vector_load %arg6[%parallel_loop3A_83, %parallel_loop3A_84] {strides = array<i32>} : memref<512x24xi32, #tpu.memory_space<vmem>>, vector<16xi32>,
      %parallel_loop3A_86 = arith.constant 0 : i32
      %parallel_loop3A_87 = arith.addi %parallel_loop3A_86, %parallel_loop3A_75 : i32
      %parallel_loop3A_88 = arith.index_cast %parallel_loop3A_87 : i32 to index
      %parallel_loop3A_89 = arith.constant 0 : index
      %parallel_loop3A_90 = tpu.vector_load %arg7[%parallel_loop3A_88, %parallel_loop3A_89] {strides = array<i32>} : memref<512x24xi32, #tpu.memory_space<vmem>>, vector<16xi32>,
      %parallel_loop3A_91 = arith.addi %parallel_loop3A_80, %parallel_loop3A_90 : vector<16xi32>
      %parallel_loop3A_92 = arith.constant 0 : i32
      %parallel_loop3A_93 = arith.addi %parallel_loop3A_92, %parallel_loop3A_75 : i32
      %parallel_loop3A_94 = arith.index_cast %parallel_loop3A_93 : i32 to index
      %parallel_loop3A_95 = arith.constant 8 : index
      %parallel_loop3A_96 = tpu.vector_load %arg7[%parallel_loop3A_94, %parallel_loop3A_95] {strides = array<i32>} : memref<512x24xi32, #tpu.memory_space<vmem>>, vector<16xi32>,
      %parallel_loop3A_97 = arith.addi %parallel_loop3A_85, %parallel_loop3A_96 : vector<16xi32>
      %parallel_loop3A_98 = arith.constant 0 : i32
      %parallel_loop3A_99 = arith.addi %parallel_loop3A_98, %parallel_loop3A_75 : i32
      %parallel_loop3A_100 = arith.index_cast %parallel_loop3A_99 : i32 to index
      %parallel_loop3A_101 = arith.constant 0 : index
      %parallel_loop3A_102 = tpu.vector_load %arg8[%parallel_loop3A_100, %parallel_loop3A_101] {strides = array<i32>} : memref<512x24xi32, #tpu.memory_space<vmem>>, vector<16xi32>,
      %parallel_loop3A_103 = arith.addi %parallel_loop3A_91, %parallel_loop3A_102 : vector<16xi32>
      %parallel_loop3A_104 = arith.constant 0 : i32
      %parallel_loop3A_105 = arith.addi %parallel_loop3A_104, %parallel_loop3A_75 : i32
      %parallel_loop3A_106 = arith.index_cast %parallel_loop3A_105 : i32 to index
      %parallel_loop3A_107 = arith.constant 8 : index
      %parallel_loop3A_108 = tpu.vector_load %arg8[%parallel_loop3A_106, %parallel_loop3A_107] {strides = array<i32>} : memref<512x24xi32, #tpu.memory_space<vmem>>, vector<16xi32>,
      %parallel_loop3A_109 = arith.addi %parallel_loop3A_97, %parallel_loop3A_108 : vector<16xi32>
      %parallel_loop3A_110 = arith.constant 0 : i32
      %parallel_loop3A_111 = arith.addi %parallel_loop3A_110, %parallel_loop3A_75 : i32
      %parallel_loop3A_112 = arith.index_cast %parallel_loop3A_111 : i32 to index
      %parallel_loop3A_113 = arith.constant 0 : index
      %parallel_loop3A_114 = tpu.vector_load %arg9[%parallel_loop3A_112, %parallel_loop3A_113] {strides = array<i32>} : memref<512x24xi32, #tpu.memory_space<vmem>>, vector<16xi32>,
      %parallel_loop3A_115 = arith.addi %parallel_loop3A_103, %parallel_loop3A_114 : vector<16xi32>
      %parallel_loop3A_116 = arith.constant 0 : i32
      %parallel_loop3A_117 = arith.addi %parallel_loop3A_116, %parallel_loop3A_75 : i32
      %parallel_loop3A_118 = arith.index_cast %parallel_loop3A_117 : i32 to index
      %parallel_loop3A_119 = arith.constant 8 : index
      %parallel_loop3A_120 = tpu.vector_load %arg9[%parallel_loop3A_118, %parallel_loop3A_119] {strides = array<i32>} : memref<512x24xi32, #tpu.memory_space<vmem>>, vector<16xi32>,
      %parallel_loop3A_121 = arith.addi %parallel_loop3A_109, %parallel_loop3A_120 : vector<16xi32>
      %parallel_loop3A_122 = arith.sitofp %parallel_loop3A_115 : vector<16xi32> to vector<16xf32>
      %parallel_loop3A_123 = arith.index_cast %parallel_loop3A_75 : i32 to index
      %parallel_loop3A_124 = arith.constant 0 : index
      %parallel_loop3A_125 = tpu.vector_load %arg5[%parallel_loop3A_123, %parallel_loop3A_124] {strides = array<i32>} : memref<128x128xf32, #tpu.memory_space<vmem>>, vector<16xf32>,
      tpu.vector_store %arg5[%parallel_loop3A_123, %parallel_loop3A_124], %parallel_loop3A_122 {strides = array<i32>} : memref<128x128xf32, #tpu.memory_space<vmem>>, vector<16xf32>,
      %parallel_loop3A_126 = arith.sitofp %parallel_loop3A_121 : vector<16xi32> to vector<16xf32>
      %parallel_loop3A_127 = arith.index_cast %parallel_loop3A_75 : i32 to index
      %parallel_loop3A_128 = arith.constant 8 : index
      %parallel_loop3A_129 = tpu.vector_load %arg5[%parallel_loop3A_127, %parallel_loop3A_128] {strides = array<i32>} : memref<128x128xf32, #tpu.memory_space<vmem>>, vector<16xf32>,
      tpu.vector_store %arg5[%parallel_loop3A_127, %parallel_loop3A_128], %parallel_loop3A_126 {strides = array<i32>} : memref<128x128xf32, #tpu.memory_space<vmem>>, vector<16xf32>,
    } {sc.loop_unroll_factor = 1 : i64, sc.parallel_access}
    "tpu.region"() ({
      %run_scoped3A = tpu.sem_alloc : memref<!tpu.dma_semaphore, #tpu.memory_space<semaphore_mem>>
      %dma_start3A = arith.constant 0 : i32
      %dma_start3A_75 = tpu.memref_slice %arg3[%add3A_52, %dma_start3A] : memref<16384x128xf32, #tpu.memory_space<hbm>> -> memref<128x128xf32, #tpu.memory_space<hbm>>
      %dma_start3A_76 = arith.constant 0 : i32
      %dma_start3A_77 = tpu.memref_slice %arg3[%add3A_52, %dma_start3A_76] : memref<16384x128xf32, #tpu.memory_space<hbm>> -> memref<128x128xf32, #tpu.memory_space<hbm>>
      tpu.enqueue_dma source(%arg5 : memref<128x128xf32, #tpu.memory_space<vmem>>) target(%dma_start3A_77 : memref<128x128xf32, #tpu.memory_space<hbm>>) target_semaphore(%run_scoped3A : memref<!tpu.dma_semaphore, #tpu.memory_space<semaphore_mem>>)
      %dma_wait3A = arith.constant 0 : i32
      %dma_wait3A_78 = tpu.memref_slice %arg3[%add3A_52, %dma_wait3A] : memref<16384x128xf32, #tpu.memory_space<hbm>> -> memref<128x128xf32, #tpu.memory_space<hbm>>
      %dma_wait3A_79 = arith.constant 0 : i32
      %dma_wait3A_80 = tpu.memref_slice %arg3[%add3A_52, %dma_wait3A_79] : memref<16384x128xf32, #tpu.memory_space<hbm>> -> memref<128x128xf32, #tpu.memory_space<hbm>>
      tpu.wait_dma2 semaphore(%run_scoped3A : memref<!tpu.dma_semaphore, #tpu.memory_space<semaphore_mem>>) src(%arg5 : memref<128x128xf32, #tpu.memory_space<vmem>>) dst(%dma_wait3A_80 : memref<128x128xf32, #tpu.memory_space<hbm>>)
      tpu.yield
    }) : () -> ()
    %add3A_56 = arith.constant 128 : i32
    %add3A_57 = arith.addi %add3A_50, %add3A_56 : i32
    %parallel_loop3A_58 = arith.constant 0 : i32
    %parallel_loop3A_59 = arith.constant 128 : i32
    %parallel_loop3A_60 = arith.constant 1 : i32
    scf.for %parallel_loop3A_75 = %parallel_loop3A_58 to %parallel_loop3A_59 step %parallel_loop3A_60  : i32 {
      %parallel_loop3A_76 = arith.constant 128 : i32
      %parallel_loop3A_77 = arith.addi %parallel_loop3A_76, %parallel_loop3A_75 : i32
      %parallel_loop3A_78 = arith.index_cast %parallel_loop3A_77 : i32 to index
      %parallel_loop3A_79 = arith.constant 0 : index
      %parallel_loop3A_80 = tpu.vector_load %arg6[%parallel_loop3A_78, %parallel_loop3A_79] {strides = array<i32>} : memref<512x24xi32, #tpu.memory_space<vmem>>, vector<16xi32>,
      %parallel_loop3A_81 = arith.constant 128 : i32
      %parallel_loop3A_82 = arith.addi %parallel_loop3A_81, %parallel_loop3A_75 : i32
      %parallel_loop3A_83 = arith.index_cast %parallel_loop3A_82 : i32 to index
      %parallel_loop3A_84 = arith.constant 8 : index
      %parallel_loop3A_85 = tpu.vector_load %arg6[%parallel_loop3A_83, %parallel_loop3A_84] {strides = array<i32>} : memref<512x24xi32, #tpu.memory_space<vmem>>, vector<16xi32>,
      %parallel_loop3A_86 = arith.constant 128 : i32
      %parallel_loop3A_87 = arith.addi %parallel_loop3A_86, %parallel_loop3A_75 : i32
      %parallel_loop3A_88 = arith.index_cast %parallel_loop3A_87 : i32 to index
      %parallel_loop3A_89 = arith.constant 0 : index
      %parallel_loop3A_90 = tpu.vector_load %arg7[%parallel_loop3A_88, %parallel_loop3A_89] {strides = array<i32>} : memref<512x24xi32, #tpu.memory_space<vmem>>, vector<16xi32>,
      %parallel_loop3A_91 = arith.addi %parallel_loop3A_80, %parallel_loop3A_90 : vector<16xi32>
      %parallel_loop3A_92 = arith.constant 128 : i32
      %parallel_loop3A_93 = arith.addi %parallel_loop3A_92, %parallel_loop3A_75 : i32
      %parallel_loop3A_94 = arith.index_cast %parallel_loop3A_93 : i32 to index
      %parallel_loop3A_95 = arith.constant 8 : index
      %parallel_loop3A_96 = tpu.vector_load %arg7[%parallel_loop3A_94, %parallel_loop3A_95] {strides = array<i32>} : memref<512x24xi32, #tpu.memory_space<vmem>>, vector<16xi32>,
      %parallel_loop3A_97 = arith.addi %parallel_loop3A_85, %parallel_loop3A_96 : vector<16xi32>
      %parallel_loop3A_98 = arith.constant 128 : i32
      %parallel_loop3A_99 = arith.addi %parallel_loop3A_98, %parallel_loop3A_75 : i32
      %parallel_loop3A_100 = arith.index_cast %parallel_loop3A_99 : i32 to index
      %parallel_loop3A_101 = arith.constant 0 : index
      %parallel_loop3A_102 = tpu.vector_load %arg8[%parallel_loop3A_100, %parallel_loop3A_101] {strides = array<i32>} : memref<512x24xi32, #tpu.memory_space<vmem>>, vector<16xi32>,
      %parallel_loop3A_103 = arith.addi %parallel_loop3A_91, %parallel_loop3A_102 : vector<16xi32>
      %parallel_loop3A_104 = arith.constant 128 : i32
      %parallel_loop3A_105 = arith.addi %parallel_loop3A_104, %parallel_loop3A_75 : i32
      %parallel_loop3A_106 = arith.index_cast %parallel_loop3A_105 : i32 to index
      %parallel_loop3A_107 = arith.constant 8 : index
      %parallel_loop3A_108 = tpu.vector_load %arg8[%parallel_loop3A_106, %parallel_loop3A_107] {strides = array<i32>} : memref<512x24xi32, #tpu.memory_space<vmem>>, vector<16xi32>,
      %parallel_loop3A_109 = arith.addi %parallel_loop3A_97, %parallel_loop3A_108 : vector<16xi32>
      %parallel_loop3A_110 = arith.constant 128 : i32
      %parallel_loop3A_111 = arith.addi %parallel_loop3A_110, %parallel_loop3A_75 : i32
      %parallel_loop3A_112 = arith.index_cast %parallel_loop3A_111 : i32 to index
      %parallel_loop3A_113 = arith.constant 0 : index
      %parallel_loop3A_114 = tpu.vector_load %arg9[%parallel_loop3A_112, %parallel_loop3A_113] {strides = array<i32>} : memref<512x24xi32, #tpu.memory_space<vmem>>, vector<16xi32>,
      %parallel_loop3A_115 = arith.addi %parallel_loop3A_103, %parallel_loop3A_114 : vector<16xi32>
      %parallel_loop3A_116 = arith.constant 128 : i32
      %parallel_loop3A_117 = arith.addi %parallel_loop3A_116, %parallel_loop3A_75 : i32
      %parallel_loop3A_118 = arith.index_cast %parallel_loop3A_117 : i32 to index
      %parallel_loop3A_119 = arith.constant 8 : index
      %parallel_loop3A_120 = tpu.vector_load %arg9[%parallel_loop3A_118, %parallel_loop3A_119] {strides = array<i32>} : memref<512x24xi32, #tpu.memory_space<vmem>>, vector<16xi32>,
      %parallel_loop3A_121 = arith.addi %parallel_loop3A_109, %parallel_loop3A_120 : vector<16xi32>
      %parallel_loop3A_122 = arith.sitofp %parallel_loop3A_115 : vector<16xi32> to vector<16xf32>
      %parallel_loop3A_123 = arith.index_cast %parallel_loop3A_75 : i32 to index
      %parallel_loop3A_124 = arith.constant 0 : index
      %parallel_loop3A_125 = tpu.vector_load %arg5[%parallel_loop3A_123, %parallel_loop3A_124] {strides = array<i32>} : memref<128x128xf32, #tpu.memory_space<vmem>>, vector<16xf32>,
      tpu.vector_store %arg5[%parallel_loop3A_123, %parallel_loop3A_124], %parallel_loop3A_122 {strides = array<i32>} : memref<128x128xf32, #tpu.memory_space<vmem>>, vector<16xf32>,
      %parallel_loop3A_126 = arith.sitofp %parallel_loop3A_121 : vector<16xi32> to vector<16xf32>
      %parallel_loop3A_127 = arith.index_cast %parallel_loop3A_75 : i32 to index
      %parallel_loop3A_128 = arith.constant 8 : index
      %parallel_loop3A_129 = tpu.vector_load %arg5[%parallel_loop3A_127, %parallel_loop3A_128] {strides = array<i32>} : memref<128x128xf32, #tpu.memory_space<vmem>>, vector<16xf32>,
      tpu.vector_store %arg5[%parallel_loop3A_127, %parallel_loop3A_128], %parallel_loop3A_126 {strides = array<i32>} : memref<128x128xf32, #tpu.memory_space<vmem>>, vector<16xf32>,
    } {sc.loop_unroll_factor = 1 : i64, sc.parallel_access}
    "tpu.region"() ({
      %run_scoped3A = tpu.sem_alloc : memref<!tpu.dma_semaphore, #tpu.memory_space<semaphore_mem>>
      %dma_start3A = arith.constant 0 : i32
      %dma_start3A_75 = tpu.memref_slice %arg3[%add3A_57, %dma_start3A] : memref<16384x128xf32, #tpu.memory_space<hbm>> -> memref<128x128xf32, #tpu.memory_space<hbm>>
      %dma_start3A_76 = arith.constant 0 : i32
      %dma_start3A_77 = tpu.memref_slice %arg3[%add3A_57, %dma_start3A_76] : memref<16384x128xf32, #tpu.memory_space<hbm>> -> memref<128x128xf32, #tpu.memory_space<hbm>>
      tpu.enqueue_dma source(%arg5 : memref<128x128xf32, #tpu.memory_space<vmem>>) target(%dma_start3A_77 : memref<128x128xf32, #tpu.memory_space<hbm>>) target_semaphore(%run_scoped3A : memref<!tpu.dma_semaphore, #tpu.memory_space<semaphore_mem>>)
      %dma_wait3A = arith.constant 0 : i32
      %dma_wait3A_78 = tpu.memref_slice %arg3[%add3A_57, %dma_wait3A] : memref<16384x128xf32, #tpu.memory_space<hbm>> -> memref<128x128xf32, #tpu.memory_space<hbm>>
      %dma_wait3A_79 = arith.constant 0 : i32
      %dma_wait3A_80 = tpu.memref_slice %arg3[%add3A_57, %dma_wait3A_79] : memref<16384x128xf32, #tpu.memory_space<hbm>> -> memref<128x128xf32, #tpu.memory_space<hbm>>
      tpu.wait_dma2 semaphore(%run_scoped3A : memref<!tpu.dma_semaphore, #tpu.memory_space<semaphore_mem>>) src(%arg5 : memref<128x128xf32, #tpu.memory_space<vmem>>) dst(%dma_wait3A_80 : memref<128x128xf32, #tpu.memory_space<hbm>>)
      tpu.yield
    }) : () -> ()
    %add3A_61 = arith.constant 1024 : i32
    %add3A_62 = arith.addi %add3A_50, %add3A_61 : i32
    %add3A_63 = arith.constant 0 : i32
    %add3A_64 = arith.addi %add3A_62, %add3A_63 : i32
    %parallel_loop3A_65 = arith.constant 0 : i32
    %parallel_loop3A_66 = arith.constant 128 : i32
    %parallel_loop3A_67 = arith.constant 1 : i32
    scf.for %parallel_loop3A_75 = %parallel_loop3A_65 to %parallel_loop3A_66 step %parallel_loop3A_67  : i32 {
      %parallel_loop3A_76 = arith.constant 256 : i32
      %parallel_loop3A_77 = arith.addi %parallel_loop3A_76, %parallel_loop3A_75 : i32
      %parallel_loop3A_78 = arith.index_cast %parallel_loop3A_77 : i32 to index
      %parallel_loop3A_79 = arith.constant 0 : index
      %parallel_loop3A_80 = tpu.vector_load %arg6[%parallel_loop3A_78, %parallel_loop3A_79] {strides = array<i32>} : memref<512x24xi32, #tpu.memory_space<vmem>>, vector<16xi32>,
      %parallel_loop3A_81 = arith.constant 256 : i32
      %parallel_loop3A_82 = arith.addi %parallel_loop3A_81, %parallel_loop3A_75 : i32
      %parallel_loop3A_83 = arith.index_cast %parallel_loop3A_82 : i32 to index
      %parallel_loop3A_84 = arith.constant 8 : index
      %parallel_loop3A_85 = tpu.vector_load %arg6[%parallel_loop3A_83, %parallel_loop3A_84] {strides = array<i32>} : memref<512x24xi32, #tpu.memory_space<vmem>>, vector<16xi32>,
      %parallel_loop3A_86 = arith.constant 256 : i32
      %parallel_loop3A_87 = arith.addi %parallel_loop3A_86, %parallel_loop3A_75 : i32
      %parallel_loop3A_88 = arith.index_cast %parallel_loop3A_87 : i32 to index
      %parallel_loop3A_89 = arith.constant 0 : index
      %parallel_loop3A_90 = tpu.vector_load %arg7[%parallel_loop3A_88, %parallel_loop3A_89] {strides = array<i32>} : memref<512x24xi32, #tpu.memory_space<vmem>>, vector<16xi32>,
      %parallel_loop3A_91 = arith.addi %parallel_loop3A_80, %parallel_loop3A_90 : vector<16xi32>
      %parallel_loop3A_92 = arith.constant 256 : i32
      %parallel_loop3A_93 = arith.addi %parallel_loop3A_92, %parallel_loop3A_75 : i32
      %parallel_loop3A_94 = arith.index_cast %parallel_loop3A_93 : i32 to index
      %parallel_loop3A_95 = arith.constant 8 : index
      %parallel_loop3A_96 = tpu.vector_load %arg7[%parallel_loop3A_94, %parallel_loop3A_95] {strides = array<i32>} : memref<512x24xi32, #tpu.memory_space<vmem>>, vector<16xi32>,
      %parallel_loop3A_97 = arith.addi %parallel_loop3A_85, %parallel_loop3A_96 : vector<16xi32>
      %parallel_loop3A_98 = arith.constant 256 : i32
      %parallel_loop3A_99 = arith.addi %parallel_loop3A_98, %parallel_loop3A_75 : i32
      %parallel_loop3A_100 = arith.index_cast %parallel_loop3A_99 : i32 to index
      %parallel_loop3A_101 = arith.constant 0 : index
      %parallel_loop3A_102 = tpu.vector_load %arg8[%parallel_loop3A_100, %parallel_loop3A_101] {strides = array<i32>} : memref<512x24xi32, #tpu.memory_space<vmem>>, vector<16xi32>,
      %parallel_loop3A_103 = arith.addi %parallel_loop3A_91, %parallel_loop3A_102 : vector<16xi32>
      %parallel_loop3A_104 = arith.constant 256 : i32
      %parallel_loop3A_105 = arith.addi %parallel_loop3A_104, %parallel_loop3A_75 : i32
      %parallel_loop3A_106 = arith.index_cast %parallel_loop3A_105 : i32 to index
      %parallel_loop3A_107 = arith.constant 8 : index
      %parallel_loop3A_108 = tpu.vector_load %arg8[%parallel_loop3A_106, %parallel_loop3A_107] {strides = array<i32>} : memref<512x24xi32, #tpu.memory_space<vmem>>, vector<16xi32>,
      %parallel_loop3A_109 = arith.addi %parallel_loop3A_97, %parallel_loop3A_108 : vector<16xi32>
      %parallel_loop3A_110 = arith.constant 256 : i32
      %parallel_loop3A_111 = arith.addi %parallel_loop3A_110, %parallel_loop3A_75 : i32
      %parallel_loop3A_112 = arith.index_cast %parallel_loop3A_111 : i32 to index
      %parallel_loop3A_113 = arith.constant 0 : index
      %parallel_loop3A_114 = tpu.vector_load %arg9[%parallel_loop3A_112, %parallel_loop3A_113] {strides = array<i32>} : memref<512x24xi32, #tpu.memory_space<vmem>>, vector<16xi32>,
      %parallel_loop3A_115 = arith.addi %parallel_loop3A_103, %parallel_loop3A_114 : vector<16xi32>
      %parallel_loop3A_116 = arith.constant 256 : i32
      %parallel_loop3A_117 = arith.addi %parallel_loop3A_116, %parallel_loop3A_75 : i32
      %parallel_loop3A_118 = arith.index_cast %parallel_loop3A_117 : i32 to index
      %parallel_loop3A_119 = arith.constant 8 : index
      %parallel_loop3A_120 = tpu.vector_load %arg9[%parallel_loop3A_118, %parallel_loop3A_119] {strides = array<i32>} : memref<512x24xi32, #tpu.memory_space<vmem>>, vector<16xi32>,
      %parallel_loop3A_121 = arith.addi %parallel_loop3A_109, %parallel_loop3A_120 : vector<16xi32>
      %parallel_loop3A_122 = arith.sitofp %parallel_loop3A_115 : vector<16xi32> to vector<16xf32>
      %parallel_loop3A_123 = arith.index_cast %parallel_loop3A_75 : i32 to index
      %parallel_loop3A_124 = arith.constant 0 : index
      %parallel_loop3A_125 = tpu.vector_load %arg5[%parallel_loop3A_123, %parallel_loop3A_124] {strides = array<i32>} : memref<128x128xf32, #tpu.memory_space<vmem>>, vector<16xf32>,
      tpu.vector_store %arg5[%parallel_loop3A_123, %parallel_loop3A_124], %parallel_loop3A_122 {strides = array<i32>} : memref<128x128xf32, #tpu.memory_space<vmem>>, vector<16xf32>,
      %parallel_loop3A_126 = arith.sitofp %parallel_loop3A_121 : vector<16xi32> to vector<16xf32>
      %parallel_loop3A_127 = arith.index_cast %parallel_loop3A_75 : i32 to index
      %parallel_loop3A_128 = arith.constant 8 : index
      %parallel_loop3A_129 = tpu.vector_load %arg5[%parallel_loop3A_127, %parallel_loop3A_128] {strides = array<i32>} : memref<128x128xf32, #tpu.memory_space<vmem>>, vector<16xf32>,
      tpu.vector_store %arg5[%parallel_loop3A_127, %parallel_loop3A_128], %parallel_loop3A_126 {strides = array<i32>} : memref<128x128xf32, #tpu.memory_space<vmem>>, vector<16xf32>,
    } {sc.loop_unroll_factor = 1 : i64, sc.parallel_access}
    "tpu.region"() ({
      %run_scoped3A = tpu.sem_alloc : memref<!tpu.dma_semaphore, #tpu.memory_space<semaphore_mem>>
      %dma_start3A = arith.constant 0 : i32
      %dma_start3A_75 = tpu.memref_slice %arg3[%add3A_64, %dma_start3A] : memref<16384x128xf32, #tpu.memory_space<hbm>> -> memref<128x128xf32, #tpu.memory_space<hbm>>
      %dma_start3A_76 = arith.constant 0 : i32
      %dma_start3A_77 = tpu.memref_slice %arg3[%add3A_64, %dma_start3A_76] : memref<16384x128xf32, #tpu.memory_space<hbm>> -> memref<128x128xf32, #tpu.memory_space<hbm>>
      tpu.enqueue_dma source(%arg5 : memref<128x128xf32, #tpu.memory_space<vmem>>) target(%dma_start3A_77 : memref<128x128xf32, #tpu.memory_space<hbm>>) target_semaphore(%run_scoped3A : memref<!tpu.dma_semaphore, #tpu.memory_space<semaphore_mem>>)
      %dma_wait3A = arith.constant 0 : i32
      %dma_wait3A_78 = tpu.memref_slice %arg3[%add3A_64, %dma_wait3A] : memref<16384x128xf32, #tpu.memory_space<hbm>> -> memref<128x128xf32, #tpu.memory_space<hbm>>
      %dma_wait3A_79 = arith.constant 0 : i32
      %dma_wait3A_80 = tpu.memref_slice %arg3[%add3A_64, %dma_wait3A_79] : memref<16384x128xf32, #tpu.memory_space<hbm>> -> memref<128x128xf32, #tpu.memory_space<hbm>>
      tpu.wait_dma2 semaphore(%run_scoped3A : memref<!tpu.dma_semaphore, #tpu.memory_space<semaphore_mem>>) src(%arg5 : memref<128x128xf32, #tpu.memory_space<vmem>>) dst(%dma_wait3A_80 : memref<128x128xf32, #tpu.memory_space<hbm>>)
      tpu.yield
    }) : () -> ()
    %add3A_68 = arith.constant 1024 : i32
    %add3A_69 = arith.addi %add3A_50, %add3A_68 : i32
    %add3A_70 = arith.constant 128 : i32
    %add3A_71 = arith.addi %add3A_69, %add3A_70 : i32
    %parallel_loop3A_72 = arith.constant 0 : i32
    %parallel_loop3A_73 = arith.constant 128 : i32
    %parallel_loop3A_74 = arith.constant 1 : i32
    scf.for %parallel_loop3A_75 = %parallel_loop3A_72 to %parallel_loop3A_73 step %parallel_loop3A_74  : i32 {
      %parallel_loop3A_76 = arith.constant 384 : i32
      %parallel_loop3A_77 = arith.addi %parallel_loop3A_76, %parallel_loop3A_75 : i32
      %parallel_loop3A_78 = arith.index_cast %parallel_loop3A_77 : i32 to index
      %parallel_loop3A_79 = arith.constant 0 : index
      %parallel_loop3A_80 = tpu.vector_load %arg6[%parallel_loop3A_78, %parallel_loop3A_79] {strides = array<i32>} : memref<512x24xi32, #tpu.memory_space<vmem>>, vector<16xi32>,
      %parallel_loop3A_81 = arith.constant 384 : i32
      %parallel_loop3A_82 = arith.addi %parallel_loop3A_81, %parallel_loop3A_75 : i32
      %parallel_loop3A_83 = arith.index_cast %parallel_loop3A_82 : i32 to index
      %parallel_loop3A_84 = arith.constant 8 : index
      %parallel_loop3A_85 = tpu.vector_load %arg6[%parallel_loop3A_83, %parallel_loop3A_84] {strides = array<i32>} : memref<512x24xi32, #tpu.memory_space<vmem>>, vector<16xi32>,
      %parallel_loop3A_86 = arith.constant 384 : i32
      %parallel_loop3A_87 = arith.addi %parallel_loop3A_86, %parallel_loop3A_75 : i32
      %parallel_loop3A_88 = arith.index_cast %parallel_loop3A_87 : i32 to index
      %parallel_loop3A_89 = arith.constant 0 : index
      %parallel_loop3A_90 = tpu.vector_load %arg7[%parallel_loop3A_88, %parallel_loop3A_89] {strides = array<i32>} : memref<512x24xi32, #tpu.memory_space<vmem>>, vector<16xi32>,
      %parallel_loop3A_91 = arith.addi %parallel_loop3A_80, %parallel_loop3A_90 : vector<16xi32>
      %parallel_loop3A_92 = arith.constant 384 : i32
      %parallel_loop3A_93 = arith.addi %parallel_loop3A_92, %parallel_loop3A_75 : i32
      %parallel_loop3A_94 = arith.index_cast %parallel_loop3A_93 : i32 to index
      %parallel_loop3A_95 = arith.constant 8 : index
      %parallel_loop3A_96 = tpu.vector_load %arg7[%parallel_loop3A_94, %parallel_loop3A_95] {strides = array<i32>} : memref<512x24xi32, #tpu.memory_space<vmem>>, vector<16xi32>,
      %parallel_loop3A_97 = arith.addi %parallel_loop3A_85, %parallel_loop3A_96 : vector<16xi32>
      %parallel_loop3A_98 = arith.constant 384 : i32
      %parallel_loop3A_99 = arith.addi %parallel_loop3A_98, %parallel_loop3A_75 : i32
      %parallel_loop3A_100 = arith.index_cast %parallel_loop3A_99 : i32 to index
      %parallel_loop3A_101 = arith.constant 0 : index
      %parallel_loop3A_102 = tpu.vector_load %arg8[%parallel_loop3A_100, %parallel_loop3A_101] {strides = array<i32>} : memref<512x24xi32, #tpu.memory_space<vmem>>, vector<16xi32>,
      %parallel_loop3A_103 = arith.addi %parallel_loop3A_91, %parallel_loop3A_102 : vector<16xi32>
      %parallel_loop3A_104 = arith.constant 384 : i32
      %parallel_loop3A_105 = arith.addi %parallel_loop3A_104, %parallel_loop3A_75 : i32
      %parallel_loop3A_106 = arith.index_cast %parallel_loop3A_105 : i32 to index
      %parallel_loop3A_107 = arith.constant 8 : index
      %parallel_loop3A_108 = tpu.vector_load %arg8[%parallel_loop3A_106, %parallel_loop3A_107] {strides = array<i32>} : memref<512x24xi32, #tpu.memory_space<vmem>>, vector<16xi32>,
      %parallel_loop3A_109 = arith.addi %parallel_loop3A_97, %parallel_loop3A_108 : vector<16xi32>
      %parallel_loop3A_110 = arith.constant 384 : i32
      %parallel_loop3A_111 = arith.addi %parallel_loop3A_110, %parallel_loop3A_75 : i32
      %parallel_loop3A_112 = arith.index_cast %parallel_loop3A_111 : i32 to index
      %parallel_loop3A_113 = arith.constant 0 : index
      %parallel_loop3A_114 = tpu.vector_load %arg9[%parallel_loop3A_112, %parallel_loop3A_113] {strides = array<i32>} : memref<512x24xi32, #tpu.memory_space<vmem>>, vector<16xi32>,
      %parallel_loop3A_115 = arith.addi %parallel_loop3A_103, %parallel_loop3A_114 : vector<16xi32>
      %parallel_loop3A_116 = arith.constant 384 : i32
      %parallel_loop3A_117 = arith.addi %parallel_loop3A_116, %parallel_loop3A_75 : i32
      %parallel_loop3A_118 = arith.index_cast %parallel_loop3A_117 : i32 to index
      %parallel_loop3A_119 = arith.constant 8 : index
      %parallel_loop3A_120 = tpu.vector_load %arg9[%parallel_loop3A_118, %parallel_loop3A_119] {strides = array<i32>} : memref<512x24xi32, #tpu.memory_space<vmem>>, vector<16xi32>,
      %parallel_loop3A_121 = arith.addi %parallel_loop3A_109, %parallel_loop3A_120 : vector<16xi32>
      %parallel_loop3A_122 = arith.sitofp %parallel_loop3A_115 : vector<16xi32> to vector<16xf32>
      %parallel_loop3A_123 = arith.index_cast %parallel_loop3A_75 : i32 to index
      %parallel_loop3A_124 = arith.constant 0 : index
      %parallel_loop3A_125 = tpu.vector_load %arg5[%parallel_loop3A_123, %parallel_loop3A_124] {strides = array<i32>} : memref<128x128xf32, #tpu.memory_space<vmem>>, vector<16xf32>,
      tpu.vector_store %arg5[%parallel_loop3A_123, %parallel_loop3A_124], %parallel_loop3A_122 {strides = array<i32>} : memref<128x128xf32, #tpu.memory_space<vmem>>, vector<16xf32>,
      %parallel_loop3A_126 = arith.sitofp %parallel_loop3A_121 : vector<16xi32> to vector<16xf32>
      %parallel_loop3A_127 = arith.index_cast %parallel_loop3A_75 : i32 to index
      %parallel_loop3A_128 = arith.constant 8 : index
      %parallel_loop3A_129 = tpu.vector_load %arg5[%parallel_loop3A_127, %parallel_loop3A_128] {strides = array<i32>} : memref<128x128xf32, #tpu.memory_space<vmem>>, vector<16xf32>,
      tpu.vector_store %arg5[%parallel_loop3A_127, %parallel_loop3A_128], %parallel_loop3A_126 {strides = array<i32>} : memref<128x128xf32, #tpu.memory_space<vmem>>, vector<16xf32>,
    } {sc.loop_unroll_factor = 1 : i64, sc.parallel_access}
    "tpu.region"() ({
      %run_scoped3A = tpu.sem_alloc : memref<!tpu.dma_semaphore, #tpu.memory_space<semaphore_mem>>
      %dma_start3A = arith.constant 0 : i32
      %dma_start3A_75 = tpu.memref_slice %arg3[%add3A_71, %dma_start3A] : memref<16384x128xf32, #tpu.memory_space<hbm>> -> memref<128x128xf32, #tpu.memory_space<hbm>>
      %dma_start3A_76 = arith.constant 0 : i32
      %dma_start3A_77 = tpu.memref_slice %arg3[%add3A_71, %dma_start3A_76] : memref<16384x128xf32, #tpu.memory_space<hbm>> -> memref<128x128xf32, #tpu.memory_space<hbm>>
      tpu.enqueue_dma source(%arg5 : memref<128x128xf32, #tpu.memory_space<vmem>>) target(%dma_start3A_77 : memref<128x128xf32, #tpu.memory_space<hbm>>) target_semaphore(%run_scoped3A : memref<!tpu.dma_semaphore, #tpu.memory_space<semaphore_mem>>)
      %dma_wait3A = arith.constant 0 : i32
      %dma_wait3A_78 = tpu.memref_slice %arg3[%add3A_71, %dma_wait3A] : memref<16384x128xf32, #tpu.memory_space<hbm>> -> memref<128x128xf32, #tpu.memory_space<hbm>>
      %dma_wait3A_79 = arith.constant 0 : i32
      %dma_wait3A_80 = tpu.memref_slice %arg3[%add3A_71, %dma_wait3A_79] : memref<16384x128xf32, #tpu.memory_space<hbm>> -> memref<128x128xf32, #tpu.memory_space<hbm>>
      tpu.wait_dma2 semaphore(%run_scoped3A : memref<!tpu.dma_semaphore, #tpu.memory_space<semaphore_mem>>) src(%arg5 : memref<128x128xf32, #tpu.memory_space<vmem>>) dst(%dma_wait3A_80 : memref<128x128xf32, #tpu.memory_space<hbm>>)
      tpu.yield
    }) : () -> ()
    return
  }
}

module attributes {stable_mosaic.version = 14 : i64} {
  func.func @_matmul_body(%arg0: i32, %arg1: memref<8192x128xf32, #tpu.memory_space<vmem>>, %arg2: memref<128x128xf32, #tpu.memory_space<vmem>>, %arg3: memref<8192x128xf32, #tpu.memory_space<vmem>>) attributes {dimension_semantics = [#tpu.dimension_semantics<arbitrary>], iteration_bounds = array<i64: 2>, scalar_prefetch = 0 : i64, scratch_operands = 0 : i64, tpu.core_type = #tpu.core_type<tc>, window_params = [{transform_indices = @transform_0, window_bounds = array<i64: 8192, 128>}, {pipeline_mode = #tpu.pipeline_mode<synchronous>, transform_indices = @transform_1, window_bounds = array<i64: 128, 128>}, {transform_indices = @transform_2, window_bounds = array<i64: 8192, 128>}]} {
    %get3A = arith.constant 0 : index
    %get3A_0 = arith.constant 0 : index
    %get3A_1 = vector.load %arg1[%get3A, %get3A_0] : memref<8192x128xf32, #tpu.memory_space<vmem>>, vector<8192x128xf32>
    %get3A_2 = arith.constant 0 : index
    %get3A_3 = arith.constant 0 : index
    %get3A_4 = vector.load %arg2[%get3A_2, %get3A_3] : memref<128x128xf32, #tpu.memory_space<vmem>>, vector<128x128xf32>
    %dot_general3A = arith.constant dense<0.000000e+00> : vector<8192x128xf32>
    %dot_general3A_5 = tpu.matmul %get3A_1, %get3A_4, %dot_general3A {dimension_numbers = #tpu.dot_dimension_numbers<[1], [0], [0], [1], [0, 0, 1, 1], [], []>, precision = #tpu.contract_precision<fp32>, transpose_lhs_hint = false} : vector<8192x128xf32>, vector<128x128xf32>, vector<8192x128xf32> -> vector<8192x128xf32>
    %tanh3A = math.tanh %dot_general3A_5 : vector<8192x128xf32>
    %swap3A = arith.constant 0 : index
    %swap3A_6 = arith.constant 0 : index
    %swap3A_7 = vector.load %arg3[%swap3A, %swap3A_6] : memref<8192x128xf32, #tpu.memory_space<vmem>>, vector<8192x128xf32>
    tpu.vector_store %arg3[%swap3A, %swap3A_6], %tanh3A {strides = array<i32>} : memref<8192x128xf32, #tpu.memory_space<vmem>>, vector<8192x128xf32>,
    return
  }
  func.func @transform_0(%arg0: i32) -> (i32, i32) {
    %c0_i32 = arith.constant 0 : i32
    %c0_i32_0 = arith.constant 0 : i32
    return %arg0, %c0_i32 : i32, i32
  }
  func.func @transform_1(%arg0: i32) -> (i32, i32) {
    %c0_i32 = arith.constant 0 : i32
    %c0_i32_0 = arith.constant 0 : i32
    %c0_i32_1 = arith.constant 0 : i32
    return %c0_i32, %c0_i32_0 : i32, i32
  }
  func.func @transform_2(%arg0: i32) -> (i32, i32) {
    %c0_i32 = arith.constant 0 : i32
    %c0_i32_0 = arith.constant 0 : i32
    return %arg0, %c0_i32 : i32, i32
  }
}

module attributes {stable_mosaic.version = 14 : i64} {
  func.func @_pack_body(%arg0: i32, %arg1: memref<2048x200xi32, #tpu.memory_space<vmem>>, %arg2: memref<131072xi32, #tpu.memory_space<vmem>>) attributes {dimension_semantics = [#tpu.dimension_semantics<arbitrary>], iteration_bounds = array<i64: 8>, scalar_prefetch = 0 : i64, scratch_operands = 0 : i64, tpu.core_type = #tpu.core_type<tc>, window_params = [{transform_indices = @transform_0, window_bounds = array<i64: 2048, 200>}, {transform_indices = @transform_1, window_bounds = array<i64: 131072>}]} {
    %get3A = arith.constant 0 : index
    %get3A_0 = arith.constant 0 : index
    %get3A_1 = vector.load %arg1[%get3A, %get3A_0] : memref<2048x200xi32, #tpu.memory_space<vmem>>, vector<2048x200xi32>
    %jit3A = arith.constant 0 : i32
    %pad3A = vector.broadcast %jit3A : i32 to vector<2048x56xi32>
    %pad3A_2 = tpu.concatenate %get3A_1, %pad3A in 1 : vector<2048x200xi32>, vector<2048x56xi32> -> vector<2048x256xi32>
    %slice3A = vector.extract_strided_slice %pad3A_2 {offsets = [0, 0], sizes = [1024, 128], strides = [1, 1]} : vector<2048x256xi32> to vector<1024x128xi32>
    %slice3A_3 = vector.extract_strided_slice %pad3A_2 {offsets = [0, 128], sizes = [1024, 128], strides = [1, 1]} : vector<2048x256xi32> to vector<1024x128xi32>
    %slice3A_4 = vector.extract_strided_slice %pad3A_2 {offsets = [1024, 0], sizes = [1024, 128], strides = [1, 1]} : vector<2048x256xi32> to vector<1024x128xi32>
    %slice3A_5 = vector.extract_strided_slice %pad3A_2 {offsets = [1024, 128], sizes = [1024, 128], strides = [1, 1]} : vector<2048x256xi32> to vector<1024x128xi32>
    %shift_left3A = arith.constant 8 : i32
    %shift_left3A_6 = vector.broadcast %shift_left3A : i32 to vector<1024x128xi32>
    %shift_left3A_7 = arith.shli %slice3A_3, %shift_left3A_6 : vector<1024x128xi32>
    %or3A = arith.ori %slice3A, %shift_left3A_7 : vector<1024x128xi32>
    %shift_left3A_8 = arith.constant 16 : i32
    %shift_left3A_9 = vector.broadcast %shift_left3A_8 : i32 to vector<1024x128xi32>
    %shift_left3A_10 = arith.shli %slice3A_4, %shift_left3A_9 : vector<1024x128xi32>
    %or3A_11 = arith.ori %or3A, %shift_left3A_10 : vector<1024x128xi32>
    %shift_left3A_12 = arith.constant 24 : i32
    %shift_left3A_13 = vector.broadcast %shift_left3A_12 : i32 to vector<1024x128xi32>
    %shift_left3A_14 = arith.shli %slice3A_5, %shift_left3A_13 : vector<1024x128xi32>
    %or3A_15 = arith.ori %or3A_11, %shift_left3A_14 : vector<1024x128xi32>
    %reshape3A = vector.shape_cast %or3A_15 : vector<1024x128xi32> to vector<131072xi32>
    %swap3A = arith.constant 0 : index
    %swap3A_16 = vector.load %arg2[%swap3A] : memref<131072xi32, #tpu.memory_space<vmem>>, vector<131072xi32>
    tpu.vector_store %arg2[%swap3A], %reshape3A {strides = array<i32>} : memref<131072xi32, #tpu.memory_space<vmem>>, vector<131072xi32>,
    return
  }
  func.func @transform_0(%arg0: i32) -> (i32, i32) {
    %c0_i32 = arith.constant 0 : i32
    %c0_i32_0 = arith.constant 0 : i32
    return %arg0, %c0_i32 : i32, i32
  }
  func.func @transform_1(%arg0: i32) -> i32 {
    %c0_i32 = arith.constant 0 : i32
    return %arg0 : i32
  }
}

</mosaic_0001>

<sc_bundles>
// kernel: kernel.5.cloned.1.call-start
scs
__scs_entry_jumppad:
0x0: {  	(pc) =	sbr.rel $0x88, $3  }
0x1: {  	(tag) =	ssettag $0x0;
	lr =	simm.s32 $0x1  }
0x2: {  	[smem:$0x3F9F] =	sst lr;
	_ =	strace $0xD0000000  }
0x3: {  	_ = 	snop  }
0x4: {  	_ = 	snop  }
0x5: {  	_ = 	snop  }
0x6: {  	_ = 	snop  }
0x7: {  	_ = 	snop  }
__scs_overlays_trampoline_lowered:
0x8: {  	[smem:$0x3FAE] =	sst s0  }
0x9: {  	[smem:$0x3FAF] =	sst s1  }
0xa: {  	[smem:$0x3FB0] =	sst s2  }
0xb: {  	[smem:$0x3FB1] =	sst s3  }
0xc: {  	[smem:$0x3FB2] =	sst s4  }
0xd: {  	[smem:$0x3FB3] =	sst s5  }
0xe: {  	[smem:$0x3FB4] =	sst s6  }
0xf: {  	[smem:$0x3FB5] =	sst s7  }
0x10: {  	[smem:$0x3FB6] =	sst s8  }
0x11: {  	[smem:$0x3FB7] =	sst s9;
	s0 =	simm.s32 @!p0 $0x0  }
0x12: {  	s1 =	sld [smem:$0x3F9D];
	s0 =	simm.s32 @p0 $0x1  }
0x13: {  	[smem:$0x3FB8] =	sst s0;
	s0 =	simm.s32 @!p1 $0x0  }
0x14: {  	s2 =	sld [smem:$0x3F9C];
	s0 =	simm.s32 @p1 $0x1  }
0x15: {  	[smem:$0x3FB9] =	sst s0;
	s0 =	simm.s32 @!p2 $0x0  }
0x16: {  	s3 =	sld [smem:$0x3FDB];
	s0 =	simm.s32 @p2 $0x1  }
0x17: {  	s4 =	simm.s32 $0x1BF5;
	[smem:$0x3FBB] =	sst s0  }
0x18: {  	s0 =	sld [smem:$0x3F9E];
	_ =	swait.ge [sflag:s4], $0x0  }
0x19: {  	s7 =	sld [smem:$0x3F9F]  }
0x1a: {  	s8 =	sadd.s32 $0xFFFFE003, lr  }
0x1b: {  	s9 =	sadd.s32 $0xFFFFFEF7, lr;
	s5 =	simm.s32 $0xFFFFFFFF;
	p2 =	slt.u32 s8, $0xFFFFF086  }
0x1c: {  	p1 =	slt.u32 s9, $0xF7A;
	s5 =	simm.s32 @!p2 $0x0  }
0x1d: {  	s5 =	simm.s32 @p1 $0x1;
	p0 =	seq.s32 s7, s2  }
0x1e: {  	s7 =	smul.u32 @!p0 $0xF7A, s2;
	p2 =	seq.s32 @!p0 s5, $0x0  }
0x1f: {  	s9 =	smul.u32 $0xF7A, s1;
	s8 =	simm.s32 @!p0 $0x1BF5;
	p2 =	por !p2, p0  }
0x20: {  	[sflag:s8] =	ssyncset.s32 @!p0 $0xFFFFF086;
	s6 =	sadd.s32 @!p0 s3, s7;
	s7 =	simm.s32 @!p0 $0x108  }
0x21: {  	s3 =	sadd.s32 s3, s9;
	s6 =	sadd.s32 @!p0 $0x88, s6;
	s7 =	simm.s32 @p2 $0x1082  }
0x22: {  	[simem:s7], [sflag:s8] =	dma.local @!p0 [hbm:s6], $0xF7A  }
0x23: {  	s9 =	sor.u32 $0xD0000000, s2;
	s6 =	simm.s32 $0x108;
	_ =	swait.ge @!p0 [sflag:s8], $0x0  }
0x24: {  	s3 =	sadd.s32 $0x88, s3;
	s6 =	simm.s32 @!p1 $0x1082;
	[sflag:s4] =	ssyncset.s32 $0xFFFFF086  }
0x25: {  	[simem:s6], [sflag:s4] =	dma.local [hbm:s3], $0xF7A  }
0x26: {  	[smem:$0x3F9F] =	sst s1;
	(tag) =	ssettag s2;
	_ =	strace s9  }
0x27: {  	s1 =	sld [smem:$0x3FAF]  }
0x28: {  	s2 =	sld [smem:$0x3FB0]  }
0x29: {  	s4 =	sld [smem:$0x3FB2]  }
0x2a: {  	p0 =	seq.s32 s5, $0x0;
	s5 =	sld [smem:$0x3FB3]  }
0x2b: {  	s6 =	sld [smem:$0x3FB4]  }
0x2c: {  	s7 =	sld [smem:$0x3FB5]  }
0x2d: {  	s3 =	simm.s32 $0x108;
	s8 =	sld [smem:$0x3FB6]  }
0x2e: {  	s3 =	simm.s32 @!p0 $0x1082;
	s9 =	sld [smem:$0x3FB7]  }
0x2f: {  	lr =	sadd.s32 s0, s3;
	s0 =	sld [smem:$0x3FAE]  }
0x30: {  	s3 =	sld [smem:$0x3FB1]  }
0x31: {  	[smem:$0x3FBA] =	sst s10  }
0x32: {  	s10 =	sld [smem:$0x3FB8];
	_ =	sdelay $0x3  }
0x33: {  	p0 =	seq.s32 s10, $0x1;
	s10 =	sld [smem:$0x3FBA];
	_ =	sdelay $0x3  }
0x34: {  	[smem:$0x3FBA] =	sst s10  }
0x35: {  	s10 =	sld [smem:$0x3FB9];
	_ =	sdelay $0x3  }
0x36: {  	p1 =	seq.s32 s10, $0x1;
	s10 =	sld [smem:$0x3FBA];
	_ =	sdelay $0x3  }
0x37: {  	[smem:$0x3FBA] =	sst s10  }
0x38: {  	s10 =	sld [smem:$0x3FBB]  }
0x39: {  	_ = 	snop;
	(pc) =	sbr.ind lr, $3  }
0x3a: {  	_ = 	snop  }
0x3b: {  	_ = 	snop  }
0x3c: {  	p2 =	seq.s32 s10, $0x1;
	s10 =	sld [smem:$0x3FBA]  }
0x3d: {  	_ =	shalt  }
0x3e: {  	_ =	shalt  }
0x3f: {  	_ =	shalt  }
0x40: {  	_ =	shalt  }
0x41: {  	_ =	shalt  }
0x42: {  	_ =	shalt  }
0x43: {  	_ =	shalt  }
0x44: {  	_ =	shalt  }
0x45: {  	_ =	shalt  }
0x46: {  	_ =	shalt  }
0x47: {  	_ =	shalt  }
0x48: {  	_ =	shalt  }
0x49: {  	_ =	shalt  }
0x4a: {  	_ =	shalt  }
0x4b: {  	_ =	shalt  }
0x4c: {  	_ =	shalt  }
0x4d: {  	_ =	shalt  }
0x4e: {  	_ =	shalt  }
0x4f: {  	_ =	shalt  }
0x50: {  	_ =	shalt  }
0x51: {  	_ =	shalt  }
0x52: {  	_ =	shalt  }
0x53: {  	_ =	shalt  }
0x54: {  	_ =	shalt  }
0x55: {  	_ =	shalt  }
0x56: {  	_ =	shalt  }
0x57: {  	_ =	shalt  }
0x58: {  	_ =	shalt  }
0x59: {  	_ =	shalt  }
0x5a: {  	_ =	shalt  }
0x5b: {  	_ =	shalt  }
0x5c: {  	_ =	shalt  }
0x5d: {  	_ =	shalt  }
0x5e: {  	_ =	shalt  }
0x5f: {  	_ =	shalt  }
0x60: {  	_ =	shalt  }
0x61: {  	_ =	shalt  }
0x62: {  	_ =	shalt  }
0x63: {  	_ =	shalt  }
0x64: {  	_ =	shalt  }
0x65: {  	_ =	shalt  }
0x66: {  	_ =	shalt  }
0x67: {  	_ =	shalt  }
0x68: {  	_ =	shalt  }
0x69: {  	_ =	shalt  }
0x6a: {  	_ =	shalt  }
0x6b: {  	_ =	shalt  }
0x6c: {  	_ =	shalt  }
0x6d: {  	_ =	shalt  }
0x6e: {  	_ =	shalt  }
0x6f: {  	_ =	shalt  }
0x70: {  	_ =	shalt  }
0x71: {  	_ =	shalt  }
0x72: {  	_ =	shalt  }
0x73: {  	_ =	shalt  }
0x74: {  	_ =	shalt  }
0x75: {  	_ =	shalt  }
0x76: {  	_ =	shalt  }
0x77: {  	_ =	shalt  }
0x78: {  	_ =	shalt  }
0x79: {  	_ =	shalt  }
0x7a: {  	_ =	shalt  }
0x7b: {  	_ =	shalt  }
0x7c: {  	_ =	shalt  }
0x7d: {  	_ =	shalt  }
0x7e: {  	_ =	shalt  }
0x7f: {  	_ =	shalt  }
0x80: {  	_ =	shalt  }
0x81: {  	_ =	shalt  }
0x82: {  	_ =	shalt  }
0x83: {  	_ =	shalt  }
0x84: {  	_ =	shalt  }
0x85: {  	_ =	shalt  }
0x86: {  	_ =	shalt  }
0x87: {  	_ =	shalt  }
.Lfunc_end0:
.L_simem_size_0:
called_computation_lowered:
.L_overlay_start_0:
0x88: {  	s2 =	sld [smem:$0x3FD9]  }
0x89: {  	s3 =	sld [smem:$0x3FFE];
	_ =	sdelay $0x1  }
0x8a: {  	s1 =	srdreg.scid  }
0x8b: {  	s0 =	sand.u32 $0x1, s1  }
0x8c: {  	s17 =	sshll.u32 s0, $0xA;
	s2 =	sadd.s32 s3, s2  }
0x8d: {  	s2 =	sadd.s32 s2, s17  }
0x8e: {  	[smem:$0x3FC6] =	sst s2  }
0x8f: {  	_ = 	snop  }
0x90: {  	s2 =	sld [smem:$0x3FD0];
	(tm) =	ssettm $0x1  }
0x91: {  	s18 =	sld [smem:$0x3FFB];
	_ =	sdelay $0x3  }
0x92: {  	_ =	strace s18  }
0x93: {  	s3 =	sld [smem:$0x3FFC];
	_ =	sdelay $0x3  }
0x94: {  	_ =	strace s3  }
0x95: {  	s3 =	sld [smem:$0x3FFD];
	_ =	sdelay $0x3  }
0x96: {  	_ =	strace s3  }
0x97: {  	_ =	strace $0x8FFFFFFF  }
0x98: {  	s19 =	sld [smem:$0x3FDB];
	_ =	sdelay $0x1  }
0x99: {  	s4 =	simm.s32 $_scs_section_size  }
0x9a: {  	s5 =	simm.s32 $_size__tile_overlayer_lowered;
	s6 =	simm.s32 $_tile_overlayer_lowered  }
0x9b: {  	s22 =	simm.s32 $0x1BFF;
	s21 =	sshll.u32 s6, $0x1;
	s3 =	sadd.s32 s4, s19  }
0x9c: {  	s7 =	simm.s32 $0x0;
	s20 =	sshll.u32 s5, $0x1;
	s5 =	sadd.s32 s21, s3  }
0x9d: {  	[timem:s7], [sflag:s22] =	dma.local [hbm:s5], s20  }
0x9e: {  	_ =	swait.ge [sflag:s22], s20  }
0x9f: {  	s4 =	ssub.s32 $0x0, s20;
	[sflag:s22] =	ssyncset.done $0x0  }
0xa0: {  	[sflag:s22] =	ssyncadd.s32 s4;
	_ =	sdelay $0x1  }
0xa1: {  	s23 =	simm.s32 $0x1B8B  }
0xa2: {  	_ =	swait.ge [sflag:s23], $0x1  }
0xa3: {  	[sflag:s23] =	ssyncset.done $0x0  }
0xa4: {  	s25 =	simm.s32 $0x1B8E;
	s24 =	sld [smem:$0x3FFE];
	[sflag:s23] =	ssyncadd.s32 $0xFFFFFFFF  }
0xa5: {  	s26 =	simm.s32 $execute0_lowered;
	[smem:$0x3FD2] =	sst s25  }
0xa6: {  	s5 =	sshll.u32 s26, $0x1;
	_ =	strace $0x80000046;
	[dreg:$0x1] =	wrdreg $0xFFFFFFFF  }
0xa7: {  	s28 =	simm.s32 $_size_execute0_lowered;
	s3 =	sadd.s32 s3, s5;
	[dreg:$0x0] =	wrdreg $0x0  }
0xa8: {  	s5 =	sshll.u32 s28, $0x1;
	[dreg:$0x2] =	wrdreg s3  }
0xa9: {  	[dreg:$0x3] =	wrdreg s5  }
0xaa: {  	[dreg:$0x4] =	wrdreg $0xC0  }
0xab: {  	_ =	task [dreg:s7], $0x5FFFF  }
0xac: {  	[dreg:$0x1] =	wrdreg $0xFFFFFFFF  }
0xad: {  	[dreg:$0x0] =	wrdreg $0x60  }
0xae: {  	[dreg:$0x2] =	wrdreg s24  }
0xaf: {  	[dreg:$0x3] =	wrdreg s2  }
0xb0: {  	[dreg:$0x4] =	wrdreg $0x9  }
0xb1: {  	_ =	task.clear_ibuf [dreg:s7], $0x5FFFF;
	_ =	strace $0x90000046  }
0xb2: {  	s29 =	simm.s32 $0x9;
	_ =	strace $0x80000048  }
0xb3: {  	_ =	swait.ge [sflag:s29], $0x1  }
0xb4: {  	[sflag:s29] =	ssyncadd.s32 $0xFFFFFFFF  }
0xb5: {  	_ =	strace $0x90000048  }
0xb6: {  	_ =	sfence  }
0xb7: {  	s30 =	sld [smem:$0x0];
	_ =	sdelay $0x2  }
0xb8: {  	s31 =	sshll.u32 s1, $0xD;
	s1 =	sshrl.u32 s1, $0x2  }
0xb9: {  	s3 =	sand.u32 $0x4000, s31;
	s1 =	sadd.s32 s1, s30  }
0xba: {  	s0 =	sor.u32 s3, s0;
	s1 =	sshll.u32 s1, $0x11  }
0xbb: {  	s0 =	sor.u32 s1, s0  }
0xbc: {  	s0 =	sadd.s32 $0x8F2B, s0  }
0xbd: {  	[sflag:s0] =	ssyncadd.remote.s32 $0x1  }
0xbe: {  	_ =	sfence.sel $0xFFFF  }
0xbf: {  	[dreg:$0x0] =	wrdreg $0xFFFFFFFF;
	(pc) =	sbr.abs _section_cstart, $3  }
0xc0: {  	[dreg:$0x1] =	wrdreg $0xFFFFFFFF  }
0xc1: {  	_ =	task.clear_ibuf [dreg:s7], $0x2FFFF;
	_ =	strace $0x9FFFFFFF  }
0xc2: {  	(tm) =	ssettm $0x7FFFFFFF  }
0xc3: {  	_ =	shalt  }
tec
execute0_lowered:
.L_overlay_start_1:
0x0: {  	(tag) =	ssettag $0x1  }
0x1: {  	s3 =	rddreg [dreg:$0x0]  }
0x2: {  	s4 =	rddreg [dreg:$0x1];
	s2 =	srdreg.scid  }
0x3: {  	s0 =	rddreg [dreg:$0x2];
	s1 =	stileid.u32;
	s10 =	simm.s32 $0xC000  }
0x4: {  	s11 =	simm.s32 $0xF000;
	s12 =	simm.s32 $0x12000;
	s13 =	simm.s32 $0x15000  }
0x5: {  	s14 =	simm.s32 $0x8000;
	s15 =	simm.s32 $0x0;
	s5 =	sand.u32 $0x1, s2  }
0x6: {  	s2 =	simm.s32 $0x0;
	s6 =	sshll.u32 s1, $0xD;
	s30 =	sshll.u32 s1, $0xE  }
0x7: {  	s7 =	sshll.u32 s5, $0xC;
	[smem:$0x7FF] =	sst s2;
	s5 =	ssub.s32 $0x2, s5  }
0x8: {  	s6 =	sor.u32 s7, s6;
	s7 =	sand.u32 $0x38000, s30;
	_ =	strace $0x80000047  }
0x9: {  	v0 =	vlaneseq.u32;
	s9 =	sshrl.u32 s5, $0x1;
	s8 =	sand.u32 $0x3000, s6;
	s6 =	sadd.s32 s6, s3  }
0xa: {  	v3 =	vmul.u32 $0x18, v0;
	s31 =	ssub.s32 s5, s9;
	s9 =	simm.s32 $0x1;
	s7 =	sor.u32 s7, s8  }
0xb: {  	v1 =	vimm.s32 $0x0;
	s8 =	smax.u32 s31, $0x1;
	s3 =	sadd.s32 s4, s7;
	s4 =	sadd.s32 $0xA00, s6  }
0xc: {  	v2 =	vimm.f32 $0.0e+00;
	v4 =	vimm.s32 $0x1;
	v3 =	vor.u32 $0x1800, v3;
	s5 =	sadd.s32 $0x800, s3;
	s6 =	sadd.s32 $0x4000, s3;
	s7 =	sadd.s32 $0x4800, s3  }
.LBB2_1:
0xd: {  	[tilespmem:s2], [sflag:$0x1] =	stream.linear.gather [hbm4b:s4+s2], $0x8000, $0x38;
	[tilespmem:$0x18000] =	vst v63  }
0xe: {  	_ =	swait.ge [sflag:s9], $0x8000  }
0xf: {  	[sflag:s9] =	ssyncset.done $0x0  }
0x10: {  	s16 =	simm.s32 $0x0;
	[sflag:s9] =	ssyncadd.s32 $0xFFFF8000  }
0x11: {  	s17 =	simm.s32 $0x60;
	[tilespmem:s16+$0x15000] =	vst v1  }
.LBB2_2:
0x12: {  	p0 =	sne.s32 s17, $0xBFA0;
	[tilespmem:s16+$0x15008] =	vst v1  }
0x13: {  	[tilespmem:s16+$0xC000] =	vst v1  }
0x14: {  	[tilespmem:s16+$0xC008] =	vst v1  }
.Ltmp0:
0x15: {  	[tilespmem:s16+$0xF000] =	vst v1;
	(pc) =	sbr.rel @p0 .LBB2_2-.Ltmp0, $4  }
0x16: {  	[tilespmem:s16+$0xF008] =	vst v1  }
0x17: {  	[tilespmem:s16+$0x12000] =	vst v1  }
0x18: {  	[tilespmem:s16+$0x12008] =	vst v1;
	s16 =	sshra.s32 s17, $0x2  }
0x19: {  	s17 =	sadd.s32 $0x60, s17;
	[tilespmem:s16+$0x15000] =	vst v1  }
0x1a: {  	[tilespmem:s16+$0x15008] =	vst v1  }
0x1b: {  	[tilespmem:s16+$0xC000] =	vst v1  }
0x1c: {  	[tilespmem:s16+$0xF000] =	vst v1  }
0x1d: {  	[tilespmem:s16+$0x12000] =	vst v1  }
0x1e: {  	[tilespmem:s16+$0xC008] =	vst v1  }
0x1f: {  	[tilespmem:s16+$0xF008] =	vst v1  }
0x20: {  	s17 =	simm.s32 $0x0;
	[tilespmem:s16+$0x12008] =	vst v1  }
0x21: {  	s18 =	simm.s32 $0x200;
	s16 =	simm.s32 $0x0;
	[tilespmem:s17+$0x8068] =	vst v2  }
.LBB2_4:
0x22: {  	p0 =	sne.s32 s18, $0xFE00;
	[tilespmem:s17+$0x8070] =	vst v2  }
0x23: {  	[tilespmem:s17+$0x8018] =	vst v2  }
.Ltmp1:
0x24: {  	[tilespmem:s17+$0x8028] =	vst v2;
	(pc) =	sbr.rel @p0 .LBB2_4-.Ltmp1, $4  }
0x25: {  	[tilespmem:s17+$0x8038] =	vst v2  }
0x26: {  	[tilespmem:s17+$0x8048] =	vst v2  }
0x27: {  	[tilespmem:s17+$0x8058] =	vst v2;
	s17 =	sshra.s32 s18, $0x2  }
0x28: {  	s18 =	sadd.s32 $0x200, s18;
	[tilespmem:s17+$0x8068] =	vst v2  }
0x29: {  	[tilespmem:s17+$0x8070] =	vst v2  }
0x2a: {  	[tilespmem:s17+$0x8018] =	vst v2  }
0x2b: {  	[tilespmem:s17+$0x8028] =	vst v2  }
0x2c: {  	[tilespmem:s17+$0x8038] =	vst v2  }
0x2d: {  	[tilespmem:s17+$0x8048] =	vst v2  }
0x2e: {  	[tilespmem:s17+$0x8058] =	vst v2  }
.LBB2_6:
0x2f: {  	s17 =	sshll.u32 s16, $0x4  }
0x30: {  	v5 =	vor.u32 s17, v0  }
0x31: {  	s18 =	simm.s32 $0x3;
	v7 =	vshll.u32 v5, $0x7  }
0x32: {  	s19 =	simm.s32 $0x1;
	v6 =	vor.u32 s18, v7  }
0x33: {  	s30 =	simm.s32 $0x2;
	v8 =	vmov s19  }
0x34: {  	v9 =	vmov s30;
	v8 =	vand.u32 $0x7D, v8  }
0x35: {  	v9 =	vand.u32 $0x7E, v9;
	v8 =	vbroadcast v8, $0x0  }
0x36: {  	v9 =	vbroadcast v9, $0x0  }
0x37: {  	s31 =	simm.s32 $0x0;
	v8 =	vor.u32 v7, v8;
	v10 =	vld.idx.msk [tilespmem:v6+s2+$0x0], $0xffff  }
0x38: {  	v11 =	vmov s31;
	v9 =	vor.u32 v7, v9;
	v6 =	vmov s17  }
0x39: {  	v12 =	vmul.u32 $0x18, v6;
	v6 =	vand.u32 $0x7C, v11  }
0x3a: {  	v11 =	vbroadcast v6, $0x0  }
0x3b: {  	v6 =	vmul.u32 $0x18, v5;
	v5 =	vadd.s32 v3, v12  }
0x3c: {  	v8 =	vld.idx.msk [tilespmem:v8+s2+$0x0], $0xffff;
	v12 =	vor.u32 v7, v11;
	v11 =	vshrl.u32 v10, $0x10;
	v13 =	vshrl.u32 v10, $0x18  }
0x3d: {  	v15 =	vld.idx.msk [tilespmem:v9+s2+$0x0], $0xffff;
	v9 =	vshrl.u32 v10, $0x8;
	v18 =	vand.u32 $0xF8, v10;
	v10 =	vand.u32 $0x7, v10  }
0x3e: {  	v14 =	vand.u32 $0xF8, v11;
	v16 =	vand.u32 $0xF8, v13;
	v17 =	vand.u32 $0x7, v9  }
0x3f: {  	v11 =	vand.u32 $0x7, v11;
	v9 =	vand.u32 $0xF8, v9;
	v18 =	vadd.s32 v6, v18  }
0x40: {  	v21 =	vand.u32 $0x7, v13;
	v14 =	vadd.s32 v5, v14;
	v20 =	vadd.s32 v6, v9  }
0x41: {  	v9 =	vshrl.u32 v8, $0x10;
	v25 =	vand.u32 $0xF8, v8;
	v23 =	vor.u32 v10, v18  }
0x42: {  	v18 =	vshrl.u32 v15, $0x8;
	v16 =	vadd.s32 v5, v16;
	v22 =	vshrl.u32 v15, $0x18  }
0x43: {  	v26 =	vand.u32 $0x7, v8;
	v19 =	vor.u32 v11, v14;
	v11 =	vshrl.u32 v8, $0x8  }
0x44: {  	v14 =	vshrl.u32 v15, $0x10;
	v17 =	vor.u32 v17, v20;
	v20 =	vand.u32 $0xF8, v15  }
0x45: {  	v27 =	vand.u32 $0x7, v18;
	v10 =	vld.idx.msk [tilespmem:v12+s2+$0x0], $0xffff;
	v12 =	vand.u32 $0x7, v15;
	v13 =	vadd.s32 v6, v20  }
0x46: {  	v20 =	vand.u32 $0xF8, v18;
	v15 =	vand.u32 $0xF8, v22;
	v18 =	vor.u32 v21, v16  }
0x47: {  	v21 =	vand.u32 $0xF8, v14;
	v12 =	vor.u32 v12, v13;
	v13 =	vand.u32 $0xF8, v9  }
0x48: {  	v20 =	vadd.s32 v6, v20;
	v24 =	vadd.s32 v5, v15;
	v13 =	vadd.s32 v5, v13  }
0x49: {  	v16 =	vor.u32 v27, v20;
	v27 =	vadd.s32 v6, v25;
	v25 =	vand.u32 $0xF8, v11;
	[tilespmem:v23+s10+$0x0] =	vst.idx.add.s32.msk $0xffff, v4  }
0x4a: {  	[tilespmem:v17+s11+$0x0] =	vst.idx.add.s32.msk $0xffff, v4;
	v15 =	vshrl.u32 v10, $0x10;
	v28 =	vand.u32 $0xF8, v10;
	v17 =	vshrl.u32 v10, $0x8  }
0x4b: {  	s18 =	simm.s32 $0x4;
	s17 =	simm.s32 $0x48;
	v23 =	vshrl.u32 v10, $0x18;
	[tilespmem:v19+s12+$0x0] =	vst.idx.add.s32.msk $0xffff, v4;
	v20 =	vadd.s32 v6, v28;
	v19 =	vand.u32 $0xF8, v17  }
.LBB2_7:
0x4c: {  	s19 =	sadd.s32 $0x1, s18;
	s20 =	sadd.s32 $0x2, s18;
	s21 =	sadd.s32 $0x3, s18;
	v28 =	vand.u32 $0xF8, v15;
	v29 =	vand.u32 $0xF8, v23;
	v26 =	vor.u32 v26, v27  }
0x4d: {  	p0 =	slt.u32 s18, $0x44;
	v27 =	vmov s19;
	v30 =	vmov s20;
	v28 =	vadd.s32 v5, v28;
	s19 =	smov.u32 s18;
	s18 =	sadd.s32 $0x4, s18  }
0x4e: {  	v22 =	vand.u32 $0x7, v22;
	v27 =	vand.u32 $0x7D, v27;
	v30 =	vand.u32 $0x7E, v30  }
0x4f: {  	v31 =	vor.u32 s21, v7;
	v27 =	vbroadcast v27, $0x0;
	v30 =	vbroadcast v30, $0x0  }
0x50: {  	v23 =	vand.u32 $0x7, v23;
	v29 =	vadd.s32 v5, v29;
	v22 =	vor.u32 v22, v24  }
0x51: {  	v24 =	vmov s19;
	v23 =	vor.u32 v23, v29;
	v27 =	vor.u32 v7, v27  }
0x52: {  	v8 =	vshrl.u32 v8, $0x18;
	v24 =	vand.u32 $0x7C, v24;
	v29 =	vor.u32 v7, v30  }
0x53: {  	v24 =	vbroadcast v24, $0x0;
	v30 =	vand.u32 $0x7, v8;
	v8 =	vand.u32 $0xF8, v8  }
0x54: {  	v25 =	vadd.s32 v6, v25;
	v14 =	vand.u32 $0x7, v14;
	v8 =	vadd.s32 v5, v8;
	v31 =	vld.idx.msk [tilespmem:v31+s2+$0x0], $0xffff  }
0x55: {  	v11 =	vand.u32 $0x7, v11;
	v21 =	vadd.s32 v5, v21;
	v24 =	vor.u32 v7, v24;
	[tilespmem:v18+s13+$0x0] =	vst.idx.add.s32.msk $0xffff, v4  }
0x56: {  	v15 =	vand.u32 $0x7, v15;
	v18 =	vor.u32 v11, v25;
	v11 =	vor.u32 v14, v21;
	[tilespmem:v26+s10+$0x0] =	vst.idx.add.s32.msk $0xffff, v4  }
0x57: {  	v15 =	vor.u32 v15, v28;
	v21 =	vor.u32 v30, v8;
	[tilespmem:v12+s10+$0x0] =	vst.idx.add.s32.msk $0xffff, v4  }
0x58: {  	v10 =	vand.u32 $0x7, v10;
	v9 =	vand.u32 $0x7, v9;
	v12 =	vand.u32 $0x7, v17;
	[tilespmem:v16+s11+$0x0] =	vst.idx.add.s32.msk $0xffff, v4  }
0x59: {  	v13 =	vor.u32 v9, v13;
	v14 =	vor.u32 v10, v20;
	v10 =	vadd.s32 v6, v19;
	v8 =	vld.idx.msk [tilespmem:v27+s2+$0x0], $0xffff  }
0x5a: {  	v9 =	vshrl.u32 v31, $0x8;
	v17 =	vshrl.u32 v31, $0x10;
	v19 =	vshrl.u32 v31, $0x18;
	v16 =	vld.idx.msk [tilespmem:v29+s2+$0x0], $0xffff  }
0x5b: {  	v12 =	vor.u32 v12, v10;
	v20 =	vand.u32 $0xF8, v17;
	v25 =	vand.u32 $0xF8, v19;
	[tilespmem:v11+s12+$0x0] =	vst.idx.add.s32.msk $0xffff, v4  }
0x5c: {  	v11 =	vand.u32 $0x7, v17;
	v17 =	vadd.s32 v5, v20;
	v10 =	vld.idx.msk [tilespmem:v24+s2+$0x0], $0xffff;
	v24 =	vand.u32 $0x7, v9  }
0x5d: {  	v20 =	vand.u32 $0xF8, v31;
	v9 =	vand.u32 $0xF8, v9;
	v28 =	vor.u32 v11, v17;
	[tilespmem:v22+s13+$0x0] =	vst.idx.add.s32.msk $0xffff, v4  }
0x5e: {  	v17 =	vand.u32 $0x7, v31;
	v20 =	vadd.s32 v6, v20;
	v22 =	vadd.s32 v6, v9;
	[tilespmem:v14+s10+$0x0] =	vst.idx.add.s32.msk $0xffff, v4  }
0x5f: {  	v11 =	vshrl.u32 v8, $0x8;
	v9 =	vshrl.u32 v8, $0x10;
	v27 =	vand.u32 $0xF8, v8;
	[tilespmem:v18+s11+$0x0] =	vst.idx.add.s32.msk $0xffff, v4  }
0x60: {  	v17 =	vor.u32 v17, v20;
	v20 =	vor.u32 v24, v22;
	v14 =	vshrl.u32 v16, $0x10;
	[tilespmem:v13+s12+$0x0] =	vst.idx.add.s32.msk $0xffff, v4  }
0x61: {  	v19 =	vand.u32 $0x7, v19;
	v18 =	vand.u32 $0xF8, v16;
	v13 =	vshrl.u32 v16, $0x8;
	[tilespmem:v12+s11+$0x0] =	vst.idx.add.s32.msk $0xffff, v4  }
0x62: {  	v18 =	vadd.s32 v6, v18;
	v12 =	vand.u32 $0x7, v16;
	v22 =	vand.u32 $0xF8, v13;
	[tilespmem:v21+s13+$0x0] =	vst.idx.add.s32.msk $0xffff, v4  }
0x63: {  	v12 =	vor.u32 v12, v18;
	v29 =	vadd.s32 v6, v22;
	v18 =	vadd.s32 v5, v25  }
0x64: {  	v21 =	vand.u32 $0xF8, v9;
	v22 =	vshrl.u32 v16, $0x18;
	v16 =	vand.u32 $0x7, v13;
	[tilespmem:v15+s12+$0x0] =	vst.idx.add.s32.msk $0xffff, v4  }
.Ltmp2:
0x65: {  	v13 =	vadd.s32 v5, v21;
	v18 =	vor.u32 v19, v18;
	v15 =	vand.u32 $0xF8, v22;
	[tilespmem:v17+s10+$0x0] =	vst.idx.add.s32.msk $0xffff, v4;
	(pc) =	sbr.rel @p0 .LBB2_7-.Ltmp2, $4  }
0x66: {  	v26 =	vand.u32 $0x7, v8;
	v21 =	vand.u32 $0xF8, v14;
	v24 =	vadd.s32 v5, v15;
	[tilespmem:v20+s11+$0x0] =	vst.idx.add.s32.msk $0xffff, v4  }
0x67: {  	v19 =	vand.u32 $0xF8, v10;
	v16 =	vor.u32 v16, v29;
	v15 =	vshrl.u32 v10, $0x10;
	[tilespmem:v23+s13+$0x0] =	vst.idx.add.s32.msk $0xffff, v4  }
0x68: {  	v27 =	vadd.s32 v6, v27;
	v17 =	vshrl.u32 v10, $0x8;
	v23 =	vshrl.u32 v10, $0x18;
	[tilespmem:v28+s12+$0x0] =	vst.idx.add.s32.msk $0xffff, v4  }
0x69: {  	v25 =	vand.u32 $0xF8, v11;
	v20 =	vadd.s32 v6, v19;
	v19 =	vand.u32 $0xF8, v17  }
0x6a: {  	_ = 	snop  }
0x6b: {  	v26 =	vor.u32 v26, v27;
	v61 =	vand.u32 $0xF8, v15  }
0x6c: {  	v14 =	vand.u32 $0x7, v14;
	v21 =	vadd.s32 v5, v21;
	v28 =	vand.u32 $0xF8, v23  }
0x6d: {  	v8 =	vshrl.u32 v8, $0x18;
	v10 =	vand.u32 $0x7, v10;
	v14 =	vor.u32 v14, v21  }
0x6e: {  	[tilespmem:v18+s13+$0x0] =	vst.idx.add.s32.msk $0xffff, v4;
	v18 =	vadd.s32 v6, v25;
	v11 =	vand.u32 $0x7, v11;
	v10 =	vor.u32 v10, v20  }
0x6f: {  	[tilespmem:v12+s10+$0x0] =	vst.idx.add.s32.msk $0xffff, v4;
	v9 =	vand.u32 $0x7, v9;
	v12 =	vand.u32 $0x7, v17;
	v11 =	vor.u32 v11, v18  }
0x70: {  	v20 =	vand.u32 $0xF8, v8;
	[tilespmem:v16+s11+$0x0] =	vst.idx.add.s32.msk $0xffff, v4;
	v16 =	vadd.s32 v6, v19;
	v9 =	vor.u32 v9, v13  }
0x71: {  	v8 =	vand.u32 $0x7, v8;
	v13 =	vadd.s32 v5, v20;
	v12 =	vor.u32 v12, v16;
	[tilespmem:v26+s10+$0x0] =	vst.idx.add.s32.msk $0xffff, v4  }
0x72: {  	v15 =	vand.u32 $0x7, v15;
	v8 =	vor.u32 v8, v13;
	[tilespmem:v14+s12+$0x0] =	vst.idx.add.s32.msk $0xffff, v4;
	v14 =	vadd.s32 v5, v61  }
0x73: {  	v16 =	vadd.s32 v5, v28;
	v13 =	vand.u32 $0x7, v23;
	[tilespmem:v10+s10+$0x0] =	vst.idx.add.s32.msk $0xffff, v4;
	v14 =	vor.u32 v15, v14  }
0x74: {  	v22 =	vand.u32 $0x7, v22;
	v10 =	vor.u32 v13, v16;
	[tilespmem:v11+s11+$0x0] =	vst.idx.add.s32.msk $0xffff, v4  }
0x75: {  	s18 =	simm.s32 $0x4B;
	v62 =	vor.u32 v22, v24;
	v11 =	vmov s17;
	[tilespmem:v9+s12+$0x0] =	vst.idx.add.s32.msk $0xffff, v4  }
0x76: {  	v9 =	vor.u32 s18, v7;
	[tilespmem:v12+s11+$0x0] =	vst.idx.add.s32.msk $0xffff, v4;
	v11 =	vand.u32 $0x7C, v11  }
0x77: {  	s26 =	simm.s32 $0x49;
	[tilespmem:v8+s13+$0x0] =	vst.idx.add.s32.msk $0xffff, v4;
	v8 =	vbroadcast v11, $0x0  }
0x78: {  	s25 =	simm.s32 $0x4A;
	v11 =	vmov s26;
	[tilespmem:v14+s12+$0x0] =	vst.idx.add.s32.msk $0xffff, v4  }
0x79: {  	v11 =	vand.u32 $0x7D, v11;
	v8 =	vor.u32 v7, v8;
	[tilespmem:v10+s13+$0x0] =	vst.idx.add.s32.msk $0xffff, v4;
	v10 =	vmov s25  }
0x7a: {  	[tilespmem:v62+s13+$0x0] =	vst.idx.add.s32.msk $0xffff, v4;
	v11 =	vbroadcast v11, $0x0;
	v10 =	vand.u32 $0x7E, v10  }
0x7b: {  	v9 =	vld.idx.msk [tilespmem:v9+s2+$0x0], $0xffff;
	v10 =	vbroadcast v10, $0x0  }
0x7c: {  	s29 =	simm.s32 $0x4C;
	v11 =	vor.u32 v7, v11  }
0x7d: {  	v13 =	vmov s29;
	v10 =	vor.u32 v7, v10  }
0x7e: {  	v13 =	vand.u32 $0x7C, v13;
	v8 =	vld.idx.msk [tilespmem:v8+s2+$0x0], $0xffff  }
0x7f: {  	v13 =	vbroadcast v13, $0x0  }
0x80: {  	s28 =	simm.s32 $0x4F;
	v14 =	vand.u32 $0xF8, v9;
	v15 =	vand.u32 $0x7, v9;
	v9 =	vshrl.u32 v9, $0x10  }
0x81: {  	v12 =	vor.u32 s28, v7;
	v18 =	vor.u32 v7, v13;
	v20 =	vld.idx.msk [tilespmem:v11+s2+$0x0], $0xffff;
	v16 =	vand.u32 $0xF8, v9  }
0x82: {  	v14 =	vadd.s32 v6, v14;
	v9 =	vand.u32 $0x7, v9;
	v17 =	vld.idx.msk [tilespmem:v10+s2+$0x0], $0xffff;
	v10 =	vadd.s32 v5, v16  }
0x83: {  	v13 =	vand.u32 $0xF8, v8;
	v14 =	vor.u32 v15, v14;
	v19 =	vor.u32 v9, v10  }
0x84: {  	s30 =	simm.s32 $0x4E;
	v9 =	vshrl.u32 v8, $0x10;
	v8 =	vand.u32 $0x7, v8;
	v10 =	vadd.s32 v6, v13  }
0x85: {  	v13 =	vmov s30;
	v15 =	vand.u32 $0x7, v9;
	v9 =	vand.u32 $0xF8, v9  }
0x86: {  	v11 =	vand.u32 $0x7E, v13;
	v10 =	vor.u32 v8, v10;
	v8 =	vadd.s32 v5, v9  }
0x87: {  	v63 =	vand.u32 $0xF8, v20;
	v9 =	vbroadcast v11, $0x0;
	v8 =	vor.u32 v15, v8  }
0x88: {  	v11 =	vshrl.u32 v17, $0x10;
	v13 =	vand.u32 $0xF8, v17;
	v15 =	vand.u32 $0x7, v17  }
0x89: {  	[tilespmem:v14+s10+$0x0] =	vst.idx.add.s32.msk $0xffff, v4;
	v14 =	vor.u32 v7, v9;
	v16 =	vand.u32 $0xF8, v11;
	v17 =	vadd.s32 v6, v13  }
0x8a: {  	v11 =	vand.u32 $0x7, v11;
	[tilespmem:v19+s12+$0x0] =	vst.idx.add.s32.msk $0xffff, v4;
	v19 =	vadd.s32 v6, v63;
	v16 =	vadd.s32 v5, v16  }
0x8b: {  	s31 =	simm.s32 $0x4D;
	v13 =	vld.idx.msk [tilespmem:v12+s2+$0x0], $0xffff;
	v12 =	vor.u32 v15, v17;
	v9 =	vor.u32 v11, v16;
	v16 =	vshrl.u32 v20, $0x10  }
0x8c: {  	s17 =	simm.s32 $0x50;
	v15 =	vmov s31;
	v17 =	vand.u32 $0x7, v20;
	v11 =	vld.idx.msk [tilespmem:v18+s2+$0x0], $0xffff;
	v18 =	vand.u32 $0xF8, v16  }
.LBB2_9:
0x8d: {  	p0 =	slt.u32 s17, $0x7C;
	[tilespmem:v10+s10+$0x0] =	vst.idx.add.s32.msk $0xffff, v4;
	v10 =	vor.u32 v17, v19;
	v16 =	vand.u32 $0x7, v16;
	v17 =	vadd.s32 v5, v18  }
0x8e: {  	s18 =	sadd.s32 $0x3, s17;
	v15 =	vand.u32 $0x7D, v15;
	[tilespmem:v8+s12+$0x0] =	vst.idx.add.s32.msk $0xffff, v4;
	v8 =	vor.u32 v16, v17  }
0x8f: {  	v16 =	vor.u32 s18, v7;
	v15 =	vbroadcast v15, $0x0;
	v14 =	vld.idx.msk [tilespmem:v14+s2+$0x0], $0xffff  }
0x90: {  	v17 =	vmov s17;
	v18 =	vand.u32 $0xF8, v13;
	v19 =	vand.u32 $0x7, v13;
	[tilespmem:v12+s10+$0x0] =	vst.idx.add.s32.msk $0xffff, v4  }
0x91: {  	v13 =	vshrl.u32 v13, $0x10;
	v12 =	vand.u32 $0x7C, v17;
	v15 =	vor.u32 v7, v15;
	[tilespmem:v9+s12+$0x0] =	vst.idx.add.s32.msk $0xffff, v4  }
0x92: {  	v17 =	vand.u32 $0xF8, v13;
	v9 =	vbroadcast v12, $0x0;
	v12 =	vadd.s32 v6, v18;
	[tilespmem:v10+s10+$0x0] =	vst.idx.add.s32.msk $0xffff, v4  }
0x93: {  	v12 =	vor.u32 v19, v12;
	v10 =	vand.u32 $0x7, v13;
	v13 =	vadd.s32 v5, v17;
	[tilespmem:v8+s12+$0x0] =	vst.idx.add.s32.msk $0xffff, v4  }
0x94: {  	v17 =	vor.u32 v7, v9;
	v8 =	vand.u32 $0xF8, v11;
	v18 =	vor.u32 v10, v13  }
0x95: {  	s18 =	sadd.s32 $0x2, s17;
	v9 =	vshrl.u32 v11, $0x10;
	v10 =	vand.u32 $0x7, v11;
	v8 =	vadd.s32 v6, v8  }
0x96: {  	v11 =	vmov s18;
	v13 =	vand.u32 $0x7, v9;
	v9 =	vand.u32 $0xF8, v9;
	v19 =	vld.idx.msk [tilespmem:v15+s2+$0x0], $0xffff  }
0x97: {  	v11 =	vand.u32 $0x7E, v11;
	v10 =	vor.u32 v10, v8;
	v8 =	vadd.s32 v5, v9  }
0x98: {  	v9 =	vbroadcast v11, $0x0;
	v11 =	vshrl.u32 v14, $0x10;
	v8 =	vor.u32 v13, v8  }
.Ltmp3:
0x99: {  	v13 =	vand.u32 $0xF8, v14;
	v15 =	vand.u32 $0x7, v14;
	v14 =	vand.u32 $0xF8, v11;
	(pc) =	sbr.rel @p0 .LBB2_9-.Ltmp3, $4  }
0x9a: {  	v11 =	vand.u32 $0x7, v11;
	v20 =	vadd.s32 v6, v13;
	v21 =	vadd.s32 v5, v14;
	[tilespmem:v12+s10+$0x0] =	vst.idx.add.s32.msk $0xffff, v4  }
0x9b: {  	s18 =	sadd.s32 $0x1, s17;
	v14 =	vor.u32 v7, v9;
	v9 =	vor.u32 v11, v21;
	v12 =	vor.u32 v15, v20;
	v13 =	vld.idx.msk [tilespmem:v16+s2+$0x0], $0xffff  }
0x9c: {  	v15 =	vmov s18;
	v16 =	vshrl.u32 v19, $0x10;
	v20 =	vand.u32 $0xF8, v19;
	[tilespmem:v18+s12+$0x0] =	vst.idx.add.s32.msk $0xffff, v4  }
0x9d: {  	s17 =	sadd.s32 $0x4, s17;
	v18 =	vand.u32 $0xF8, v16;
	v11 =	vld.idx.msk [tilespmem:v17+s2+$0x0], $0xffff;
	v17 =	vand.u32 $0x7, v19;
	v19 =	vadd.s32 v6, v20  }
0x9e: {  	v15 =	vand.u32 $0x7D, v15  }
0x9f: {  	v15 =	vbroadcast v15, $0x0  }
0xa0: {  	v17 =	vor.u32 v17, v19  }
0xa1: {  	v16 =	vand.u32 $0x7, v16;
	v18 =	vadd.s32 v5, v18;
	v7 =	vor.u32 v7, v15  }
0xa2: {  	v14 =	vld.idx.msk [tilespmem:v14+s2+$0x0], $0xffff;
	v44 =	vor.u32 v16, v18;
	v45 =	vand.u32 $0xF8, v13;
	v46 =	vshrl.u32 v13, $0x10  }
0xa3: {  	v47 =	vand.u32 $0x7, v13;
	v16 =	vadd.s32 v6, v45;
	v48 =	vand.u32 $0xF8, v46  }
0xa4: {  	[tilespmem:v10+s10+$0x0] =	vst.idx.add.s32.msk $0xffff, v4;
	v49 =	vand.u32 $0x7, v46;
	v13 =	vor.u32 v47, v16;
	v50 =	vadd.s32 v5, v48  }
0xa5: {  	[tilespmem:v12+s10+$0x0] =	vst.idx.add.s32.msk $0xffff, v4;
	v51 =	vand.u32 $0xF8, v11;
	v52 =	vshrl.u32 v11, $0x10;
	v53 =	vand.u32 $0x7, v11  }
0xa6: {  	v16 =	vor.u32 v49, v50;
	v10 =	vadd.s32 v6, v51;
	v54 =	vand.u32 $0xF8, v52;
	v7 =	vld.idx.msk [tilespmem:v7+s2+$0x0], $0xffff  }
0xa7: {  	[tilespmem:v8+s12+$0x0] =	vst.idx.add.s32.msk $0xffff, v4;
	v55 =	vand.u32 $0x7, v52;
	v57 =	vshrl.u32 v14, $0x10;
	v58 =	vand.u32 $0xF8, v14  }
0xa8: {  	[tilespmem:v9+s12+$0x0] =	vst.idx.add.s32.msk $0xffff, v4;
	v59 =	vand.u32 $0x7, v14;
	v10 =	vor.u32 v53, v10;
	v56 =	vadd.s32 v5, v54  }
0xa9: {  	[tilespmem:v17+s10+$0x0] =	vst.idx.add.s32.msk $0xffff, v4;
	v60 =	vand.u32 $0xF8, v57;
	v12 =	vadd.s32 v6, v58;
	v11 =	vand.u32 $0x7, v57  }
0xaa: {  	v8 =	vor.u32 v55, v56;
	v14 =	vadd.s32 v5, v60;
	v9 =	vor.u32 v59, v12  }
0xab: {  	[tilespmem:v44+s12+$0x0] =	vst.idx.add.s32.msk $0xffff, v4;
	v11 =	vor.u32 v11, v14;
	v61 =	vshrl.u32 v7, $0x10;
	v62 =	vand.u32 $0xF8, v7  }
0xac: {  	[tilespmem:v13+s10+$0x0] =	vst.idx.add.s32.msk $0xffff, v4;
	v7 =	vand.u32 $0x7, v7;
	v6 =	vadd.s32 v6, v62;
	v63 =	vand.u32 $0xF8, v61  }
0xad: {  	s16 =	sadd.s32 $0x1, s16;
	[tilespmem:v16+s12+$0x0] =	vst.idx.add.s32.msk $0xffff, v4;
	v6 =	vor.u32 v7, v6;
	v7 =	vand.u32 $0x7, v61;
	v5 =	vadd.s32 v5, v63  }
0xae: {  	p0 =	sne.s32 s16, $0x10;
	[tilespmem:v10+s10+$0x0] =	vst.idx.add.s32.msk $0xffff, v4;
	v5 =	vor.u32 v7, v5  }
.Ltmp4:
0xaf: {  	[tilespmem:v8+s12+$0x0] =	vst.idx.add.s32.msk $0xffff, v4;
	(pc) =	sbr.rel @p0 .LBB2_6-.Ltmp4, $4  }
0xb0: {  	[tilespmem:v9+s10+$0x0] =	vst.idx.add.s32.msk $0xffff, v4  }
0xb1: {  	[tilespmem:v11+s12+$0x0] =	vst.idx.add.s32.msk $0xffff, v4  }
0xb2: {  	[tilespmem:v6+s10+$0x0] =	vst.idx.add.s32.msk $0xffff, v4  }
0xb3: {  	[tilespmem:v5+s12+$0x0] =	vst.idx.add.s32.msk $0xffff, v4  }
0xb4: {  	s17 =	simm.s32 $0x0  }
0xb5: {  	v8 =	vld [tilespmem:s17+$0x15008]  }
0xb6: {  	v6 =	vld [tilespmem:s17+$0x12008]  }
0xb7: {  	v9 =	vld [tilespmem:s17+$0xC008]  }
0xb8: {  	v10 =	vld [tilespmem:s17+$0xF008]  }
0xb9: {  	s16 =	simm.s32 $0x18;
	v5 =	vld [tilespmem:s17+$0x15000]  }
0xba: {  	v12 =	vld [tilespmem:s16+$0x15008]  }
0xbb: {  	v7 =	vld [tilespmem:s17+$0x12000]  }
0xbc: {  	v11 =	vld [tilespmem:s16+$0x12008]  }
0xbd: {  	v13 =	vld [tilespmem:s16+$0xC008]  }
0xbe: {  	v14 =	vld [tilespmem:s16+$0xF008]  }
0xbf: {  	v15 =	vld [tilespmem:s17+$0xC000]  }
0xc0: {  	v16 =	vld [tilespmem:s17+$0xF000];
	v9 =	vadd.s32 v9, v10  }
0xc1: {  	s19 =	simm.s32 $0x30;
	v9 =	vadd.s32 v6, v9;
	v6 =	vld [tilespmem:s16+$0x15000]  }
0xc2: {  	v9 =	vadd.s32 v8, v9;
	v8 =	vld [tilespmem:s19+$0x15008]  }
0xc3: {  	v10 =	vld [tilespmem:s16+$0x12000];
	v17 =	vcvt.s32.f32 v9;
	v9 =	vadd.s32 v13, v14  }
0xc4: {  	s17 =	simm.s32 $0x8008;
	v13 =	vadd.s32 v11, v9;
	v9 =	vld [tilespmem:s19+$0x12008]  }
0xc5: {  	s20 =	simm.s32 $0x120;
	s18 =	simm.s32 $0x8008;
	v11 =	vld [tilespmem:s19+$0xC008];
	[tilespmem:s17+$0x0] =	vst v17;
	v12 =	vadd.s32 v12, v13;
	v13 =	vadd.s32 v15, v16  }
.LBB2_12:
0xc6: {  	p0 =	sne.s32 s20, $0x2FA0;
	v14 =	vld [tilespmem:s19+$0xF008];
	v12 =	vcvt.s32.f32 v12;
	v18 =	vadd.s32 v7, v13  }
0xc7: {  	s17 =	sadd.s32 $0x80, s17;
	v13 =	vld [tilespmem:s16+$0xC000];
	v17 =	vadd.s32 v5, v18;
	v5 =	vmov v6;
	v15 =	vmov v8  }
0xc8: {  	v16 =	vld [tilespmem:s16+$0xF000];
	[tilespmem:s17+$0x0] =	vst v12;
	v12 =	vcvt.s32.f32 v17;
	v7 =	vmov v10;
	s16 =	smov.u32 s19  }
.Ltmp5:
0xc9: {  	s19 =	sshra.s32 s20, $0x2;
	v6 =	vld [tilespmem:s16+$0x15000];
	(pc) =	sbr.rel @p0 .LBB2_12-.Ltmp5, $4  }
0xca: {  	v8 =	vld [tilespmem:s19+$0x15008];
	[tilespmem:s18+$0xFFFFFFF8] =	vst v12;
	s18 =	smov.u32 s17  }
0xcb: {  	v11 =	vadd.s32 v11, v14;
	v10 =	vld [tilespmem:s16+$0x12000]  }
0xcc: {  	v12 =	vadd.s32 v9, v11;
	v9 =	vld [tilespmem:s19+$0x12008]  }
0xcd: {  	s20 =	sadd.s32 $0x60, s20;
	v11 =	vld [tilespmem:s19+$0xC008];
	v12 =	vadd.s32 v15, v12;
	v13 =	vadd.s32 v13, v16  }
0xce: {  	v14 =	vld [tilespmem:s19+$0xF008]  }
0xcf: {  	v15 =	vld [tilespmem:s16+$0xC000]  }
0xd0: {  	v16 =	vld [tilespmem:s16+$0xF000]  }
0xd1: {  	v17 =	vld [tilespmem:s19+$0xC000]  }
0xd2: {  	v18 =	vld [tilespmem:s19+$0xF000]  }
0xd3: {  	v19 =	vld [tilespmem:s19+$0x12000];
	v7 =	vadd.s32 v7, v13  }
0xd4: {  	v13 =	vld [tilespmem:s19+$0x15000];
	v5 =	vadd.s32 v5, v7  }
0xd5: {  	v5 =	vcvt.s32.f32 v5;
	v11 =	vadd.s32 v11, v14  }
0xd6: {  	v7 =	vadd.s32 v9, v11;
	v9 =	vadd.s32 v15, v16;
	v11 =	vcvt.s32.f32 v12  }
0xd7: {  	v7 =	vadd.s32 v8, v7;
	v8 =	vadd.s32 v10, v9;
	v9 =	vadd.s32 v17, v18  }
0xd8: {  	s29 =	sadd.s32 $0x80, s17;
	[tilespmem:s18+$0xFFFFFFF8] =	vst v5;
	v7 =	vcvt.s32.f32 v7;
	v6 =	vadd.s32 v6, v8;
	v8 =	vadd.s32 v19, v9  }
0xd9: {  	s17 =	sadd.s32 $0x80, s29;
	[tilespmem:s29+$0x0] =	vst v11;
	v5 =	vcvt.s32.f32 v6;
	v6 =	vadd.s32 v13, v8  }
0xda: {  	[tilespmem:s17+$0x0] =	vst v7;
	v6 =	vcvt.s32.f32 v6  }
0xdb: {  	[tilespmem:s29+$0xFFFFFFF8] =	vst v5  }
0xdc: {  	s30 =	simm.s32 $0x0;
	[tilespmem:s17+$0xFFFFFFF8] =	vst v6  }
0xdd: {  	[hbm4b:s3+s30] =	stream.linear.scatter [tilespmem:s14], [sflag:$0x1], $0x4000, $0x38;
	[tilespmem:$0x18000] =	vst v63  }
0xde: {  	_ =	swait.ge [sflag:s9], $0x4000  }
0xdf: {  	[sflag:s9] =	ssyncset.done $0x0  }
0xe0: {  	s31 =	simm.s32 $0x0;
	[sflag:s9] =	ssyncadd.s32 $0xFFFFC000  }
0xe1: {  	v8 =	vld [tilespmem:s31+$0x15C08]  }
0xe2: {  	v6 =	vld [tilespmem:s31+$0x12C08]  }
0xe3: {  	v9 =	vld [tilespmem:s31+$0xCC08]  }
0xe4: {  	v10 =	vld [tilespmem:s31+$0xFC08]  }
0xe5: {  	s16 =	simm.s32 $0x18;
	v5 =	vld [tilespmem:s31+$0x15C00]  }
0xe6: {  	v12 =	vld [tilespmem:s16+$0x15C08]  }
0xe7: {  	v7 =	vld [tilespmem:s31+$0x12C00]  }
0xe8: {  	v11 =	vld [tilespmem:s16+$0x12C08]  }
0xe9: {  	v13 =	vld [tilespmem:s16+$0xCC08]  }
0xea: {  	v14 =	vld [tilespmem:s16+$0xFC08]  }
0xeb: {  	v15 =	vld [tilespmem:s31+$0xCC00]  }
0xec: {  	v62 =	vld [tilespmem:s31+$0xFC00];
	v9 =	vadd.s32 v9, v10  }
0xed: {  	s19 =	simm.s32 $0x30;
	v9 =	vadd.s32 v6, v9;
	v6 =	vld [tilespmem:s16+$0x15C00]  }
0xee: {  	v9 =	vadd.s32 v8, v9;
	v8 =	vld [tilespmem:s19+$0x15C08]  }
0xef: {  	v10 =	vld [tilespmem:s16+$0x12C00];
	v63 =	vcvt.s32.f32 v9;
	v9 =	vadd.s32 v13, v14  }
0xf0: {  	s17 =	simm.s32 $0x8008;
	v13 =	vadd.s32 v11, v9;
	v9 =	vld [tilespmem:s19+$0x12C08]  }
0xf1: {  	s20 =	simm.s32 $0x120;
	s18 =	simm.s32 $0x8008;
	v11 =	vld [tilespmem:s19+$0xCC08];
	[tilespmem:s17+$0x0] =	vst v63;
	v12 =	vadd.s32 v12, v13;
	v13 =	vadd.s32 v15, v62  }
.LBB2_14:
0xf2: {  	p0 =	sne.s32 s20, $0x2FA0;
	v14 =	vld [tilespmem:s19+$0xFC08];
	v12 =	vcvt.s32.f32 v12;
	v18 =	vadd.s32 v7, v13  }
0xf3: {  	s17 =	sadd.s32 $0x80, s17;
	v13 =	vld [tilespmem:s16+$0xCC00];
	v17 =	vadd.s32 v5, v18;
	v5 =	vmov v6;
	v15 =	vmov v8  }
0xf4: {  	v16 =	vld [tilespmem:s16+$0xFC00];
	[tilespmem:s17+$0x0] =	vst v12;
	v12 =	vcvt.s32.f32 v17;
	v7 =	vmov v10;
	s16 =	smov.u32 s19  }
.Ltmp6:
0xf5: {  	s19 =	sshra.s32 s20, $0x2;
	v6 =	vld [tilespmem:s16+$0x15C00];
	(pc) =	sbr.rel @p0 .LBB2_14-.Ltmp6, $4  }
0xf6: {  	v8 =	vld [tilespmem:s19+$0x15C08];
	[tilespmem:s18+$0xFFFFFFF8] =	vst v12;
	s18 =	smov.u32 s17  }
0xf7: {  	v11 =	vadd.s32 v11, v14;
	v10 =	vld [tilespmem:s16+$0x12C00]  }
0xf8: {  	v12 =	vadd.s32 v9, v11;
	v9 =	vld [tilespmem:s19+$0x12C08]  }
0xf9: {  	s20 =	sadd.s32 $0x60, s20;
	v11 =	vld [tilespmem:s19+$0xCC08];
	v12 =	vadd.s32 v15, v12;
	v13 =	vadd.s32 v13, v16  }
0xfa: {  	v14 =	vld [tilespmem:s19+$0xFC08]  }
0xfb: {  	v15 =	vld [tilespmem:s16+$0xCC00]  }
0xfc: {  	v16 =	vld [tilespmem:s16+$0xFC00]  }
0xfd: {  	v17 =	vld [tilespmem:s19+$0xCC00]  }
0xfe: {  	v18 =	vld [tilespmem:s19+$0xFC00]  }
0xff: {  	v19 =	vld [tilespmem:s19+$0x12C00];
	v7 =	vadd.s32 v7, v13  }
0x100: {  	v13 =	vld [tilespmem:s19+$0x15C00];
	v5 =	vadd.s32 v5, v7  }
0x101: {  	v5 =	vcvt.s32.f32 v5;
	v11 =	vadd.s32 v11, v14  }
0x102: {  	v7 =	vadd.s32 v9, v11;
	v9 =	vadd.s32 v15, v16;
	v11 =	vcvt.s32.f32 v12  }
0x103: {  	v7 =	vadd.s32 v8, v7;
	v8 =	vadd.s32 v10, v9;
	v9 =	vadd.s32 v17, v18  }
0x104: {  	s29 =	sadd.s32 $0x80, s17;
	[tilespmem:s18+$0xFFFFFFF8] =	vst v5;
	v7 =	vcvt.s32.f32 v7;
	v6 =	vadd.s32 v6, v8;
	v8 =	vadd.s32 v19, v9  }
0x105: {  	s17 =	sadd.s32 $0x80, s29;
	[tilespmem:s29+$0x0] =	vst v11;
	v5 =	vcvt.s32.f32 v6;
	v6 =	vadd.s32 v13, v8  }
0x106: {  	[tilespmem:s17+$0x0] =	vst v7;
	v6 =	vcvt.s32.f32 v6  }
0x107: {  	[tilespmem:s29+$0xFFFFFFF8] =	vst v5  }
0x108: {  	s30 =	simm.s32 $0x0;
	[tilespmem:s17+$0xFFFFFFF8] =	vst v6  }
0x109: {  	[hbm4b:s5+s30] =	stream.linear.scatter [tilespmem:s14], [sflag:$0x1], $0x4000, $0x38;
	[tilespmem:$0x18000] =	vst v63  }
0x10a: {  	_ =	swait.ge [sflag:s9], $0x4000  }
0x10b: {  	[sflag:s9] =	ssyncset.done $0x0  }
0x10c: {  	s31 =	simm.s32 $0x0;
	[sflag:s9] =	ssyncadd.s32 $0xFFFFC000  }
0x10d: {  	v8 =	vld [tilespmem:s31+$0x16808]  }
0x10e: {  	v6 =	vld [tilespmem:s31+$0x13808]  }
0x10f: {  	v9 =	vld [tilespmem:s31+$0xD808]  }
0x110: {  	v10 =	vld [tilespmem:s31+$0x10808]  }
0x111: {  	s16 =	simm.s32 $0x18;
	v5 =	vld [tilespmem:s31+$0x16800]  }
0x112: {  	v12 =	vld [tilespmem:s16+$0x16808]  }
0x113: {  	v7 =	vld [tilespmem:s31+$0x13800]  }
0x114: {  	v11 =	vld [tilespmem:s16+$0x13808]  }
0x115: {  	v13 =	vld [tilespmem:s16+$0xD808]  }
0x116: {  	v14 =	vld [tilespmem:s16+$0x10808]  }
0x117: {  	v15 =	vld [tilespmem:s31+$0xD800]  }
0x118: {  	v62 =	vld [tilespmem:s31+$0x10800];
	v9 =	vadd.s32 v9, v10  }
0x119: {  	s19 =	simm.s32 $0x30;
	v9 =	vadd.s32 v6, v9;
	v6 =	vld [tilespmem:s16+$0x16800]  }
0x11a: {  	v9 =	vadd.s32 v8, v9;
	v8 =	vld [tilespmem:s19+$0x16808]  }
0x11b: {  	v10 =	vld [tilespmem:s16+$0x13800];
	v63 =	vcvt.s32.f32 v9;
	v9 =	vadd.s32 v13, v14  }
0x11c: {  	s17 =	simm.s32 $0x8008;
	v13 =	vadd.s32 v11, v9;
	v9 =	vld [tilespmem:s19+$0x13808]  }
0x11d: {  	s20 =	simm.s32 $0x120;
	s18 =	simm.s32 $0x8008;
	v11 =	vld [tilespmem:s19+$0xD808];
	[tilespmem:s17+$0x0] =	vst v63;
	v12 =	vadd.s32 v12, v13;
	v13 =	vadd.s32 v15, v62  }
.LBB2_16:
0x11e: {  	p0 =	sne.s32 s20, $0x2FA0;
	v14 =	vld [tilespmem:s19+$0x10808];
	v12 =	vcvt.s32.f32 v12;
	v18 =	vadd.s32 v7, v13  }
0x11f: {  	s17 =	sadd.s32 $0x80, s17;
	v13 =	vld [tilespmem:s16+$0xD800];
	v17 =	vadd.s32 v5, v18;
	v5 =	vmov v6;
	v15 =	vmov v8  }
0x120: {  	v16 =	vld [tilespmem:s16+$0x10800];
	[tilespmem:s17+$0x0] =	vst v12;
	v12 =	vcvt.s32.f32 v17;
	v7 =	vmov v10;
	s16 =	smov.u32 s19  }
.Ltmp7:
0x121: {  	s19 =	sshra.s32 s20, $0x2;
	v6 =	vld [tilespmem:s16+$0x16800];
	(pc) =	sbr.rel @p0 .LBB2_16-.Ltmp7, $4  }
0x122: {  	v8 =	vld [tilespmem:s19+$0x16808];
	[tilespmem:s18+$0xFFFFFFF8] =	vst v12;
	s18 =	smov.u32 s17  }
0x123: {  	v11 =	vadd.s32 v11, v14;
	v10 =	vld [tilespmem:s16+$0x13800]  }
0x124: {  	v12 =	vadd.s32 v9, v11;
	v9 =	vld [tilespmem:s19+$0x13808]  }
0x125: {  	s20 =	sadd.s32 $0x60, s20;
	v11 =	vld [tilespmem:s19+$0xD808];
	v12 =	vadd.s32 v15, v12;
	v13 =	vadd.s32 v13, v16  }
0x126: {  	v14 =	vld [tilespmem:s19+$0x10808]  }
0x127: {  	v15 =	vld [tilespmem:s16+$0xD800]  }
0x128: {  	v16 =	vld [tilespmem:s16+$0x10800]  }
0x129: {  	v17 =	vld [tilespmem:s19+$0xD800]  }
0x12a: {  	v18 =	vld [tilespmem:s19+$0x10800]  }
0x12b: {  	v19 =	vld [tilespmem:s19+$0x13800];
	v7 =	vadd.s32 v7, v13  }
0x12c: {  	v13 =	vld [tilespmem:s19+$0x16800];
	v5 =	vadd.s32 v5, v7  }
0x12d: {  	v5 =	vcvt.s32.f32 v5;
	v11 =	vadd.s32 v11, v14  }
0x12e: {  	v7 =	vadd.s32 v9, v11;
	v9 =	vadd.s32 v15, v16;
	v11 =	vcvt.s32.f32 v12  }
0x12f: {  	v7 =	vadd.s32 v8, v7;
	v8 =	vadd.s32 v10, v9;
	v9 =	vadd.s32 v17, v18  }
0x130: {  	s29 =	sadd.s32 $0x80, s17;
	[tilespmem:s18+$0xFFFFFFF8] =	vst v5;
	v7 =	vcvt.s32.f32 v7;
	v6 =	vadd.s32 v6, v8;
	v8 =	vadd.s32 v19, v9  }
0x131: {  	s17 =	sadd.s32 $0x80, s29;
	[tilespmem:s29+$0x0] =	vst v11;
	v5 =	vcvt.s32.f32 v6;
	v6 =	vadd.s32 v13, v8  }
0x132: {  	[tilespmem:s17+$0x0] =	vst v7;
	v6 =	vcvt.s32.f32 v6  }
0x133: {  	[tilespmem:s29+$0xFFFFFFF8] =	vst v5  }
0x134: {  	s30 =	simm.s32 $0x0;
	[tilespmem:s17+$0xFFFFFFF8] =	vst v6  }
0x135: {  	[hbm4b:s6+s30] =	stream.linear.scatter [tilespmem:s14], [sflag:$0x1], $0x4000, $0x38;
	[tilespmem:$0x18000] =	vst v63  }
0x136: {  	_ =	swait.ge [sflag:s9], $0x4000  }
0x137: {  	[sflag:s9] =	ssyncset.done $0x0  }
0x138: {  	s31 =	simm.s32 $0x0;
	[sflag:s9] =	ssyncadd.s32 $0xFFFFC000  }
0x139: {  	v8 =	vld [tilespmem:s31+$0x17408]  }
0x13a: {  	v6 =	vld [tilespmem:s31+$0x14408]  }
0x13b: {  	v9 =	vld [tilespmem:s31+$0xE408]  }
0x13c: {  	v10 =	vld [tilespmem:s31+$0x11408]  }
0x13d: {  	s16 =	simm.s32 $0x18;
	v5 =	vld [tilespmem:s31+$0x17400]  }
0x13e: {  	v12 =	vld [tilespmem:s16+$0x17408]  }
0x13f: {  	v7 =	vld [tilespmem:s31+$0x14400]  }
0x140: {  	v11 =	vld [tilespmem:s16+$0x14408]  }
0x141: {  	v13 =	vld [tilespmem:s16+$0xE408]  }
0x142: {  	v14 =	vld [tilespmem:s16+$0x11408]  }
0x143: {  	v15 =	vld [tilespmem:s31+$0xE400]  }
0x144: {  	s19 =	simm.s32 $0x30;
	v62 =	vld [tilespmem:s31+$0x11400];
	v9 =	vadd.s32 v9, v10  }
0x145: {  	v10 =	vld [tilespmem:s19+$0x17408];
	v9 =	vadd.s32 v6, v9  }
0x146: {  	v6 =	vld [tilespmem:s16+$0x17400];
	v8 =	vadd.s32 v8, v9  }
0x147: {  	v9 =	vld [tilespmem:s16+$0x14400];
	v63 =	vcvt.s32.f32 v8;
	v8 =	vadd.s32 v13, v14  }
0x148: {  	s17 =	simm.s32 $0x8008;
	v13 =	vadd.s32 v11, v8;
	v8 =	vld [tilespmem:s19+$0x14408]  }
0x149: {  	s20 =	simm.s32 $0x120;
	s18 =	simm.s32 $0x8008;
	v11 =	vld [tilespmem:s19+$0xE408];
	[tilespmem:s17+$0x0] =	vst v63;
	v12 =	vadd.s32 v12, v13;
	v13 =	vadd.s32 v15, v62  }
.LBB2_18:
0x14a: {  	p0 =	sne.s32 s20, $0x2FA0;
	v14 =	vld [tilespmem:s19+$0x11408];
	v12 =	vcvt.s32.f32 v12;
	v18 =	vadd.s32 v7, v13  }
0x14b: {  	s17 =	sadd.s32 $0x80, s17;
	v13 =	vld [tilespmem:s16+$0xE400];
	v17 =	vadd.s32 v5, v18;
	v5 =	vmov v6;
	v15 =	vmov v10  }
0x14c: {  	v16 =	vld [tilespmem:s16+$0x11400];
	[tilespmem:s17+$0x0] =	vst v12;
	v12 =	vcvt.s32.f32 v17;
	v7 =	vmov v9;
	s16 =	smov.u32 s19  }
.Ltmp8:
0x14d: {  	s19 =	sshra.s32 s20, $0x2;
	v6 =	vld [tilespmem:s16+$0x17400];
	(pc) =	sbr.rel @p0 .LBB2_18-.Ltmp8, $4  }
0x14e: {  	v10 =	vld [tilespmem:s19+$0x17408];
	[tilespmem:s18+$0xFFFFFFF8] =	vst v12;
	s18 =	smov.u32 s17  }
0x14f: {  	v11 =	vadd.s32 v11, v14;
	v9 =	vld [tilespmem:s16+$0x14400]  }
0x150: {  	v12 =	vadd.s32 v8, v11;
	v8 =	vld [tilespmem:s19+$0x14408]  }
0x151: {  	s20 =	sadd.s32 $0x60, s20;
	v11 =	vld [tilespmem:s19+$0xE408];
	v12 =	vadd.s32 v15, v12;
	v13 =	vadd.s32 v13, v16  }
0x152: {  	v14 =	vld [tilespmem:s19+$0x11408]  }
0x153: {  	v15 =	vld [tilespmem:s16+$0xE400]  }
0x154: {  	v16 =	vld [tilespmem:s16+$0x11400]  }
0x155: {  	v17 =	vld [tilespmem:s19+$0xE400]  }
0x156: {  	v18 =	vld [tilespmem:s19+$0x11400]  }
0x157: {  	v19 =	vld [tilespmem:s19+$0x14400]  }
0x158: {  	v7 =	vadd.s32 v7, v13;
	v59 =	vld [tilespmem:s19+$0x17400]  }
0x159: {  	v61 =	vcvt.s32.f32 v12;
	v5 =	vadd.s32 v5, v7;
	v11 =	vadd.s32 v11, v14  }
0x15a: {  	v5 =	vcvt.s32.f32 v5;
	v60 =	vadd.s32 v15, v16;
	v7 =	vadd.s32 v8, v11  }
0x15b: {  	s31 =	sadd.s32 $0x80, s17;
	v62 =	vadd.s32 v17, v18;
	v8 =	vadd.s32 v9, v60;
	v7 =	vadd.s32 v10, v7  }
0x15c: {  	[tilespmem:s31+$0x0] =	vst v61;
	v63 =	vadd.s32 v19, v62;
	v6 =	vadd.s32 v6, v8;
	v7 =	vcvt.s32.f32 v7  }
0x15d: {  	s17 =	sadd.s32 $0x80, s31;
	[tilespmem:s18+$0xFFFFFFF8] =	vst v5;
	v5 =	vcvt.s32.f32 v6;
	v6 =	vadd.s32 v59, v63  }
0x15e: {  	s15 =	sadd.s32 $0x1, s15;
	v6 =	vcvt.s32.f32 v6;
	[tilespmem:s17+$0x0] =	vst v7  }
0x15f: {  	p0 =	sne.s32 s15, s8;
	[tilespmem:s31+$0xFFFFFFF8] =	vst v5  }
.Ltmp9:
0x160: {  	[tilespmem:s17+$0xFFFFFFF8] =	vst v6;
	(pc) =	sbr.rel @p0 .LBB2_1-.Ltmp9, $4  }
0x161: {  	[hbm4b:s7+s2] =	stream.linear.scatter [tilespmem:s14], [sflag:$0x1], $0x4000, $0x38;
	[tilespmem:$0x18000] =	vst v63  }
0x162: {  	_ =	swait.ge [sflag:s9], $0x4000  }
0x163: {  	[sflag:s9] =	ssyncset.done $0x0  }
0x164: {  	[sflag:s9] =	ssyncadd.s32 $0xFFFFC000  }
0x165: {  	_ =	sfence.sel $0x180000  }
0x166: {  	[bflag:$0x0] =	sbarrier.arrive $0xFFFF  }
0x167: {  	p0 =	sne.s32 s1, $0x0;
	_ =	strace $0x90000047  }
0x168: {  	s0 =	sadd.s32 @!p0 $0x100000, s0;
	[bflag:$0x2] =	sbarrier.arrive $0xFFFF  }
0x169: {  	[sflag:s0] =	ssyncadd.tile.s32 @!p0 $0x1;
	_ =	shalt  }
.Lfunc_end2:
_tile_overlayer_lowered:
.L_overlay_start_2:
0x16a: {  	(tag) =	ssettag $0x2  }
0x16b: {  	s0 =	rddreg [dreg:$0x0];
	s2 =	stileid.u32  }
0x16c: {  	s1 =	rddreg [dreg:$0x1];
	p0 =	sne.s32 s2, $0x0  }
0x16d: {  	s3 =	rddreg [dreg:$0x2];
	[bflag:$0x3] =	sbarrier.arrive $0xFFFF;
	s2 =	simm.s32 @!p0 $0x1C01  }
0x16e: {  	[timem:s3], [sflag:s2] =	dma.local @!p0 [hbm:s0], s1  }
0x16f: {  	s0 =	simm.s32 @!p0 $0x1  }
0x170: {  	_ =	swait.ge @!p0 [sflag:s0], s1  }
0x171: {  	s1 =	ssub.s32 @!p0 $0x0, s1;
	[sflag:s0] =	ssyncset.done @!p0 $0x0  }
0x172: {  	[sflag:s0] =	ssyncadd.s32 @!p0 s1  }
0x173: {  	[bflag:$0x3] =	sbarrier.arrive $0xFFFF  }
0x174: {  	_ =	shalt  }

</sc_bundles>
